<compile_context>
chip_gen: v7x
topology: tpu7x:2x2x1
jax: 0.10.2.dev20260603
libtpu: 0.0.44.dev20260713+nightly
codegen_flags: <defaults>
</compile_context>

<pallas_src>
import functools

import jax
import jax.numpy as jnp
from jax import lax
from jax.experimental import pallas as pl
from jax.experimental.pallas import tpu as pltpu
from jax.experimental.pallas import tpu_sc as plsc

_NF = 26
_V = 100
_D = 64
_B = 16384
_NP = _NF // 2
_PD = 2 * _D
_NW = 32
_BPW = _B // _NW
_CB = 16
_NCH = _BPW // _CB


def _build_pair_table(Wf, idx_t):
    def body(w_ref, i_ref, out_ref, idxp_ref):
        wl = w_ref[0]
        wr = w_ref[1]
        left = jnp.broadcast_to(wl[:, None, :], (_V, _V, _D)).reshape(_V * _V, _D)
        right = jnp.broadcast_to(wr[None, :, :], (_V, _V, _D)).reshape(_V * _V, _D)
        out_ref[...] = jnp.concatenate([left, right], axis=1)
        j = pl.program_id(0)
        idxp_ref[...] = (i_ref[0, 0] * _V + i_ref[0, 1] + j * (_V * _V))[None, None]

    return pl.pallas_call(
        body,
        grid=(_NP,),
        in_specs=[
            pl.BlockSpec((2, _V, _D), lambda j: (j, 0, 0)),
            pl.BlockSpec((1, 2, _B), lambda j: (j, 0, 0)),
        ],
        out_specs=[
            pl.BlockSpec((_V * _V, _PD), lambda j: (j, 0)),
            pl.BlockSpec((1, 1, _B), lambda j: (j, 0, 0)),
        ],
        out_shape=[
            jax.ShapeDtypeStruct((_NP * _V * _V, _PD), jnp.float32),
            jax.ShapeDtypeStruct((_NP, 1, _B), jnp.int32),
        ],
    )(Wf, idx_t)


def _sc_gather(idxp, tablep):
    mesh = plsc.VectorSubcoreMesh(core_axis_name="c", subcore_axis_name="s")

    @functools.partial(
        pl.kernel,
        mesh=mesh,
        out_type=jax.ShapeDtypeStruct((_B, _NP * _PD), jnp.float32),
        scratch_types=[
            pltpu.VMEM((_NP, _BPW), jnp.int32),
            pltpu.VMEM((_CB, _NP * _PD), jnp.float32),
            pltpu.VMEM((_CB, _NP * _PD), jnp.float32),
            pltpu.SemaphoreType.DMA,
            pltpu.SemaphoreType.DMA,
            pltpu.SemaphoreType.DMA,
        ],
    )
    def k(idx_hbm, table_hbm, out_hbm, idxbuf, rbuf0, rbuf1, isem, sem0, sem1):
        w = lax.axis_index("s") * 2 + lax.axis_index("c")
        bbase = w * _BPW

        pltpu.async_copy(
            idx_hbm.at[:, 0, pl.ds(bbase, _BPW)], idxbuf, isem
        ).wait()

        def fire(c, rbuf, sem):
            for j in range(_NP):
                pltpu.async_copy(
                    table_hbm.at[idxbuf.at[j, pl.ds(c * _CB, _CB)]],
                    rbuf.at[:, pl.ds(j * _PD, _PD)],
                    sem,
                )

        def drain(rbuf, sem):
            pltpu.make_async_copy(out_hbm.at[pl.ds(0, _CB)], rbuf, sem).wait()

        fire(0, rbuf0, sem0)

        def pair(i, carry):
            a = 2 * i
            fire(a + 1, rbuf1, sem1)
            drain(rbuf0, sem0)
            pltpu.sync_copy(rbuf0, out_hbm.at[pl.ds(bbase + a * _CB, _CB)])
            fire(lax.min(a + 2, _NCH - 1), rbuf0, sem0)
            drain(rbuf1, sem1)
            pltpu.sync_copy(rbuf1, out_hbm.at[pl.ds(bbase + (a + 1) * _CB, _CB)])
            return carry

        lax.fori_loop(0, _NCH // 2, pair, 0)
        drain(rbuf0, sem0)

    return k(idxp, tablep)


def kernel(index_sentences, W):
    idx_t = index_sentences.astype(jnp.int32).T.reshape(_NP, 2, _B)
    tablep, idxp = _build_pair_table(W.astype(jnp.float32), idx_t)
    return _sc_gather(idxp, tablep)

# --- scband reference (transcript-rebuilt; emitter-appended) ---
"""Pipeline reference for scband-feature-embedding-67585605370566 (READ-ONLY COPY).

The authoritative reference and input builder live on the scoring server;
editing this copy changes nothing except your own understanding.
"""

import jax, jax.numpy as jnp
import numpy as np

NUM_FIELDS = 26
VOCAB = 100
EMB_DIM = 64
BATCH = 16384


def setup_inputs(seed: int = 0) -> dict:
    key = jax.random.key(seed)
    k1, k2 = jax.random.split(key)
    # index_sentences: int ids per field; vocab_list is range(VOCAB) per field so the
    # vocab->index dict mapping in FeatureEmbedding is the identity map.
    index_sentences = jax.random.randint(k1, (BATCH, NUM_FIELDS), 0, VOCAB)
    # One FreezableEmbedding table per field, xavier_uniform initialized.
    bound = float(np.sqrt(6.0 / (VOCAB + EMB_DIM)))
    W = jax.random.uniform(k2, (NUM_FIELDS, VOCAB, EMB_DIM), minval=-bound, maxval=bound, dtype=jnp.float32)
    return {"index_sentences": index_sentences, "W": W}


def reference(index_sentences, W):
    # _get_index_from_sentences: vocab maps are identity (vocab_list[i] == range(VOCAB)),
    # so indices == index_sentences.
    # MultiEmbedding.forward: concat([emb_i(idx[..., i]) for i]) along last dim,
    # normalization=None so no l2 step.
    f = jnp.arange(W.shape[0])
    gathered = W[f[None, :], index_sentences]  # [B, NUM_FIELDS, EMB_DIM] per-field gather
    out = gathered.reshape(index_sentences.shape[0], NUM_FIELDS * EMB_DIM)  # == concat(dim=-1)
    return out

if __name__ == "__main__":
    import jax
    _d = setup_inputs()
    print(jax.jit(kernel)(*tuple(_d.values())))

</pallas_src>

<mosaic_0001>
#map = affine_map<(d0, d1) -> (0, 0, 0)>
#map1 = affine_map<(d0, d1) -> (0, 0)>
module attributes {stable_mosaic.version = 14 : i64} {
  func.func @k(%arg0: i32, %arg1: i32, %arg2: memref<13x1x16384xi32, #tpu.memory_space<hbm>>, %arg3: memref<130000x128xf32, #tpu.memory_space<hbm>>, %arg4: memref<16384x1664xf32, #tpu.memory_space<hbm>>, %arg5: memref<13x512xi32, #tpu.memory_space<vmem>>, %arg6: memref<16x1664xf32, #tpu.memory_space<vmem>>, %arg7: memref<16x1664xf32, #tpu.memory_space<vmem>>, %arg8: memref<!tpu.dma_semaphore, #tpu.memory_space<semaphore_mem>>, %arg9: memref<!tpu.dma_semaphore, #tpu.memory_space<semaphore_mem>>, %arg10: memref<!tpu.dma_semaphore, #tpu.memory_space<semaphore_mem>>) attributes {dimension_semantics = [#tpu.dimension_semantics<core_parallel>, #tpu.dimension_semantics<subcore_parallel>], iteration_bounds = array<i64: 2, 16>, scalar_prefetch = 0 : i64, scratch_operands = 6 : i64, tpu.core_type = #tpu.core_type<sc_vector_subcore>, window_params = [{transform_indices = #map}, {transform_indices = #map1}, {transform_indices = #map1}]} {
    %mul3A = arith.constant 2 : i32
    %mul3A_0 = arith.muli %arg1, %mul3A : i32
    %add3A = arith.addi %mul3A_0, %arg0 : i32
    %mul3A_1 = arith.constant 512 : i32
    %mul3A_2 = arith.muli %add3A, %mul3A_1 : i32
    %dma_start3A = arith.constant 0 : i32
    %dma_start3A_3 = arith.constant 0 : i32
    %dma_start3A_4 = tpu.memref_slice %arg2[%dma_start3A_3, %dma_start3A, %mul3A_2] : memref<13x1x16384xi32, #tpu.memory_space<hbm>> -> memref<13x1x512xi32, #tpu.memory_space<hbm>>
    %dma_start3A_5 = tpu.memref_squeeze %dma_start3A_4 : memref<13x1x512xi32, #tpu.memory_space<hbm>> -> memref<13x512xi32, #tpu.memory_space<hbm>>
    %dma_start3A_6 = arith.constant 0 : i32
    %dma_start3A_7 = tpu.memref_slice %arg2[%dma_start3A_6, %dma_start3A, %mul3A_2] : memref<13x1x16384xi32, #tpu.memory_space<hbm>> -> memref<13x1x512xi32, #tpu.memory_space<hbm>>
    %dma_start3A_8 = tpu.memref_squeeze %dma_start3A_7 : memref<13x1x512xi32, #tpu.memory_space<hbm>> -> memref<13x512xi32, #tpu.memory_space<hbm>>
    tpu.enqueue_dma source(%dma_start3A_8 : memref<13x512xi32, #tpu.memory_space<hbm>>) target(%arg5 : memref<13x512xi32, #tpu.memory_space<vmem>>) target_semaphore(%arg8 : memref<!tpu.dma_semaphore, #tpu.memory_space<semaphore_mem>>)
    %dma_wait3A = arith.constant 0 : i32
    %dma_wait3A_9 = arith.constant 0 : i32
    %dma_wait3A_10 = tpu.memref_slice %arg2[%dma_wait3A_9, %dma_wait3A, %mul3A_2] : memref<13x1x16384xi32, #tpu.memory_space<hbm>> -> memref<13x1x512xi32, #tpu.memory_space<hbm>>
    %dma_wait3A_11 = tpu.memref_squeeze %dma_wait3A_10 : memref<13x1x512xi32, #tpu.memory_space<hbm>> -> memref<13x512xi32, #tpu.memory_space<hbm>>
    %dma_wait3A_12 = arith.constant 0 : i32
    %dma_wait3A_13 = tpu.memref_slice %arg2[%dma_wait3A_12, %dma_wait3A, %mul3A_2] : memref<13x1x16384xi32, #tpu.memory_space<hbm>> -> memref<13x1x512xi32, #tpu.memory_space<hbm>>
    %dma_wait3A_14 = tpu.memref_squeeze %dma_wait3A_13 : memref<13x1x512xi32, #tpu.memory_space<hbm>> -> memref<13x512xi32, #tpu.memory_space<hbm>>
    tpu.wait_dma2 semaphore(%arg8 : memref<!tpu.dma_semaphore, #tpu.memory_space<semaphore_mem>>) src(%dma_wait3A_14 : memref<13x512xi32, #tpu.memory_space<hbm>>) dst(%arg5 : memref<13x512xi32, #tpu.memory_space<vmem>>)
    %dma_start3A_15 = arith.constant 0 : i32
    %dma_start3A_16 = arith.constant 0 : i32
    %dma_start3A_17 = arith.constant 0 : i32
    %dma_start3A_18 = tpu.memref_slice %arg6[%dma_start3A_16, %dma_start3A_17] : memref<16x1664xf32, #tpu.memory_space<vmem>> -> memref<16x128xf32, #tpu.memory_space<vmem>>
    %dma_start3A_19 = arith.constant 0 : i32
    %dma_start3A_20 = tpu.memref_slice %arg5[%dma_start3A_15, %dma_start3A_19] : memref<13x512xi32, #tpu.memory_space<vmem>> -> memref<1x16xi32, #tpu.memory_space<vmem>>
    %dma_start3A_21 = tpu.memref_squeeze %dma_start3A_20 : memref<1x16xi32, #tpu.memory_space<vmem>> -> memref<16xi32, #tpu.memory_space<vmem>>
    %dma_start3A_22 = arith.constant 0 : i32
    %dma_start3A_23 = arith.constant 0 : i32
    %dma_start3A_24 = tpu.memref_slice %arg3[%dma_start3A_22, %dma_start3A_23] : memref<130000x128xf32, #tpu.memory_space<hbm>> -> memref<130000x128xf32, #tpu.memory_space<hbm>>
    tpu.enqueue_indirect_dma source(%dma_start3A_24 : memref<130000x128xf32, #tpu.memory_space<hbm>>) target(%dma_start3A_18 : memref<16x128xf32, #tpu.memory_space<vmem>>) offsets(%dma_start3A_21 : memref<16xi32, #tpu.memory_space<vmem>>) semaphore(%arg9 : memref<!tpu.dma_semaphore, #tpu.memory_space<semaphore_mem>>)
    %dma_start3A_25 = arith.constant 1 : i32
    %dma_start3A_26 = arith.constant 0 : i32
    %dma_start3A_27 = arith.constant 128 : i32
    %dma_start3A_28 = tpu.memref_slice %arg6[%dma_start3A_26, %dma_start3A_27] : memref<16x1664xf32, #tpu.memory_space<vmem>> -> memref<16x128xf32, #tpu.memory_space<vmem>>
    %dma_start3A_29 = arith.constant 0 : i32
    %dma_start3A_30 = tpu.memref_slice %arg5[%dma_start3A_25, %dma_start3A_29] : memref<13x512xi32, #tpu.memory_space<vmem>> -> memref<1x16xi32, #tpu.memory_space<vmem>>
    %dma_start3A_31 = tpu.memref_squeeze %dma_start3A_30 : memref<1x16xi32, #tpu.memory_space<vmem>> -> memref<16xi32, #tpu.memory_space<vmem>>
    %dma_start3A_32 = arith.constant 0 : i32
    %dma_start3A_33 = arith.constant 0 : i32
    %dma_start3A_34 = tpu.memref_slice %arg3[%dma_start3A_32, %dma_start3A_33] : memref<130000x128xf32, #tpu.memory_space<hbm>> -> memref<130000x128xf32, #tpu.memory_space<hbm>>
    tpu.enqueue_indirect_dma source(%dma_start3A_34 : memref<130000x128xf32, #tpu.memory_space<hbm>>) target(%dma_start3A_28 : memref<16x128xf32, #tpu.memory_space<vmem>>) offsets(%dma_start3A_31 : memref<16xi32, #tpu.memory_space<vmem>>) semaphore(%arg9 : memref<!tpu.dma_semaphore, #tpu.memory_space<semaphore_mem>>)
    %dma_start3A_35 = arith.constant 2 : i32
    %dma_start3A_36 = arith.constant 0 : i32
    %dma_start3A_37 = arith.constant 256 : i32
    %dma_start3A_38 = tpu.memref_slice %arg6[%dma_start3A_36, %dma_start3A_37] : memref<16x1664xf32, #tpu.memory_space<vmem>> -> memref<16x128xf32, #tpu.memory_space<vmem>>
    %dma_start3A_39 = arith.constant 0 : i32
    %dma_start3A_40 = tpu.memref_slice %arg5[%dma_start3A_35, %dma_start3A_39] : memref<13x512xi32, #tpu.memory_space<vmem>> -> memref<1x16xi32, #tpu.memory_space<vmem>>
    %dma_start3A_41 = tpu.memref_squeeze %dma_start3A_40 : memref<1x16xi32, #tpu.memory_space<vmem>> -> memref<16xi32, #tpu.memory_space<vmem>>
    %dma_start3A_42 = arith.constant 0 : i32
    %dma_start3A_43 = arith.constant 0 : i32
    %dma_start3A_44 = tpu.memref_slice %arg3[%dma_start3A_42, %dma_start3A_43] : memref<130000x128xf32, #tpu.memory_space<hbm>> -> memref<130000x128xf32, #tpu.memory_space<hbm>>
    tpu.enqueue_indirect_dma source(%dma_start3A_44 : memref<130000x128xf32, #tpu.memory_space<hbm>>) target(%dma_start3A_38 : memref<16x128xf32, #tpu.memory_space<vmem>>) offsets(%dma_start3A_41 : memref<16xi32, #tpu.memory_space<vmem>>) semaphore(%arg9 : memref<!tpu.dma_semaphore, #tpu.memory_space<semaphore_mem>>)
    %dma_start3A_45 = arith.constant 3 : i32
    %dma_start3A_46 = arith.constant 0 : i32
    %dma_start3A_47 = arith.constant 384 : i32
    %dma_start3A_48 = tpu.memref_slice %arg6[%dma_start3A_46, %dma_start3A_47] : memref<16x1664xf32, #tpu.memory_space<vmem>> -> memref<16x128xf32, #tpu.memory_space<vmem>>
    %dma_start3A_49 = arith.constant 0 : i32
    %dma_start3A_50 = tpu.memref_slice %arg5[%dma_start3A_45, %dma_start3A_49] : memref<13x512xi32, #tpu.memory_space<vmem>> -> memref<1x16xi32, #tpu.memory_space<vmem>>
    %dma_start3A_51 = tpu.memref_squeeze %dma_start3A_50 : memref<1x16xi32, #tpu.memory_space<vmem>> -> memref<16xi32, #tpu.memory_space<vmem>>
    %dma_start3A_52 = arith.constant 0 : i32
    %dma_start3A_53 = arith.constant 0 : i32
    %dma_start3A_54 = tpu.memref_slice %arg3[%dma_start3A_52, %dma_start3A_53] : memref<130000x128xf32, #tpu.memory_space<hbm>> -> memref<130000x128xf32, #tpu.memory_space<hbm>>
    tpu.enqueue_indirect_dma source(%dma_start3A_54 : memref<130000x128xf32, #tpu.memory_space<hbm>>) target(%dma_start3A_48 : memref<16x128xf32, #tpu.memory_space<vmem>>) offsets(%dma_start3A_51 : memref<16xi32, #tpu.memory_space<vmem>>) semaphore(%arg9 : memref<!tpu.dma_semaphore, #tpu.memory_space<semaphore_mem>>)
    %dma_start3A_55 = arith.constant 4 : i32
    %dma_start3A_56 = arith.constant 0 : i32
    %dma_start3A_57 = arith.constant 512 : i32
    %dma_start3A_58 = tpu.memref_slice %arg6[%dma_start3A_56, %dma_start3A_57] : memref<16x1664xf32, #tpu.memory_space<vmem>> -> memref<16x128xf32, #tpu.memory_space<vmem>>
    %dma_start3A_59 = arith.constant 0 : i32
    %dma_start3A_60 = tpu.memref_slice %arg5[%dma_start3A_55, %dma_start3A_59] : memref<13x512xi32, #tpu.memory_space<vmem>> -> memref<1x16xi32, #tpu.memory_space<vmem>>
    %dma_start3A_61 = tpu.memref_squeeze %dma_start3A_60 : memref<1x16xi32, #tpu.memory_space<vmem>> -> memref<16xi32, #tpu.memory_space<vmem>>
    %dma_start3A_62 = arith.constant 0 : i32
    %dma_start3A_63 = arith.constant 0 : i32
    %dma_start3A_64 = tpu.memref_slice %arg3[%dma_start3A_62, %dma_start3A_63] : memref<130000x128xf32, #tpu.memory_space<hbm>> -> memref<130000x128xf32, #tpu.memory_space<hbm>>
    tpu.enqueue_indirect_dma source(%dma_start3A_64 : memref<130000x128xf32, #tpu.memory_space<hbm>>) target(%dma_start3A_58 : memref<16x128xf32, #tpu.memory_space<vmem>>) offsets(%dma_start3A_61 : memref<16xi32, #tpu.memory_space<vmem>>) semaphore(%arg9 : memref<!tpu.dma_semaphore, #tpu.memory_space<semaphore_mem>>)
    %dma_start3A_65 = arith.constant 5 : i32
    %dma_start3A_66 = arith.constant 0 : i32
    %dma_start3A_67 = arith.constant 640 : i32
    %dma_start3A_68 = tpu.memref_slice %arg6[%dma_start3A_66, %dma_start3A_67] : memref<16x1664xf32, #tpu.memory_space<vmem>> -> memref<16x128xf32, #tpu.memory_space<vmem>>
    %dma_start3A_69 = arith.constant 0 : i32
    %dma_start3A_70 = tpu.memref_slice %arg5[%dma_start3A_65, %dma_start3A_69] : memref<13x512xi32, #tpu.memory_space<vmem>> -> memref<1x16xi32, #tpu.memory_space<vmem>>
    %dma_start3A_71 = tpu.memref_squeeze %dma_start3A_70 : memref<1x16xi32, #tpu.memory_space<vmem>> -> memref<16xi32, #tpu.memory_space<vmem>>
    %dma_start3A_72 = arith.constant 0 : i32
    %dma_start3A_73 = arith.constant 0 : i32
    %dma_start3A_74 = tpu.memref_slice %arg3[%dma_start3A_72, %dma_start3A_73] : memref<130000x128xf32, #tpu.memory_space<hbm>> -> memref<130000x128xf32, #tpu.memory_space<hbm>>
    tpu.enqueue_indirect_dma source(%dma_start3A_74 : memref<130000x128xf32, #tpu.memory_space<hbm>>) target(%dma_start3A_68 : memref<16x128xf32, #tpu.memory_space<vmem>>) offsets(%dma_start3A_71 : memref<16xi32, #tpu.memory_space<vmem>>) semaphore(%arg9 : memref<!tpu.dma_semaphore, #tpu.memory_space<semaphore_mem>>)
    %dma_start3A_75 = arith.constant 6 : i32
    %dma_start3A_76 = arith.constant 0 : i32
    %dma_start3A_77 = arith.constant 768 : i32
    %dma_start3A_78 = tpu.memref_slice %arg6[%dma_start3A_76, %dma_start3A_77] : memref<16x1664xf32, #tpu.memory_space<vmem>> -> memref<16x128xf32, #tpu.memory_space<vmem>>
    %dma_start3A_79 = arith.constant 0 : i32
    %dma_start3A_80 = tpu.memref_slice %arg5[%dma_start3A_75, %dma_start3A_79] : memref<13x512xi32, #tpu.memory_space<vmem>> -> memref<1x16xi32, #tpu.memory_space<vmem>>
    %dma_start3A_81 = tpu.memref_squeeze %dma_start3A_80 : memref<1x16xi32, #tpu.memory_space<vmem>> -> memref<16xi32, #tpu.memory_space<vmem>>
    %dma_start3A_82 = arith.constant 0 : i32
    %dma_start3A_83 = arith.constant 0 : i32
    %dma_start3A_84 = tpu.memref_slice %arg3[%dma_start3A_82, %dma_start3A_83] : memref<130000x128xf32, #tpu.memory_space<hbm>> -> memref<130000x128xf32, #tpu.memory_space<hbm>>
    tpu.enqueue_indirect_dma source(%dma_start3A_84 : memref<130000x128xf32, #tpu.memory_space<hbm>>) target(%dma_start3A_78 : memref<16x128xf32, #tpu.memory_space<vmem>>) offsets(%dma_start3A_81 : memref<16xi32, #tpu.memory_space<vmem>>) semaphore(%arg9 : memref<!tpu.dma_semaphore, #tpu.memory_space<semaphore_mem>>)
    %dma_start3A_85 = arith.constant 7 : i32
    %dma_start3A_86 = arith.constant 0 : i32
    %dma_start3A_87 = arith.constant 896 : i32
    %dma_start3A_88 = tpu.memref_slice %arg6[%dma_start3A_86, %dma_start3A_87] : memref<16x1664xf32, #tpu.memory_space<vmem>> -> memref<16x128xf32, #tpu.memory_space<vmem>>
    %dma_start3A_89 = arith.constant 0 : i32
    %dma_start3A_90 = tpu.memref_slice %arg5[%dma_start3A_85, %dma_start3A_89] : memref<13x512xi32, #tpu.memory_space<vmem>> -> memref<1x16xi32, #tpu.memory_space<vmem>>
    %dma_start3A_91 = tpu.memref_squeeze %dma_start3A_90 : memref<1x16xi32, #tpu.memory_space<vmem>> -> memref<16xi32, #tpu.memory_space<vmem>>
    %dma_start3A_92 = arith.constant 0 : i32
    %dma_start3A_93 = arith.constant 0 : i32
    %dma_start3A_94 = tpu.memref_slice %arg3[%dma_start3A_92, %dma_start3A_93] : memref<130000x128xf32, #tpu.memory_space<hbm>> -> memref<130000x128xf32, #tpu.memory_space<hbm>>
    tpu.enqueue_indirect_dma source(%dma_start3A_94 : memref<130000x128xf32, #tpu.memory_space<hbm>>) target(%dma_start3A_88 : memref<16x128xf32, #tpu.memory_space<vmem>>) offsets(%dma_start3A_91 : memref<16xi32, #tpu.memory_space<vmem>>) semaphore(%arg9 : memref<!tpu.dma_semaphore, #tpu.memory_space<semaphore_mem>>)
    %dma_start3A_95 = arith.constant 8 : i32
    %dma_start3A_96 = arith.constant 0 : i32
    %dma_start3A_97 = arith.constant 1024 : i32
    %dma_start3A_98 = tpu.memref_slice %arg6[%dma_start3A_96, %dma_start3A_97] : memref<16x1664xf32, #tpu.memory_space<vmem>> -> memref<16x128xf32, #tpu.memory_space<vmem>>
    %dma_start3A_99 = arith.constant 0 : i32
    %dma_start3A_100 = tpu.memref_slice %arg5[%dma_start3A_95, %dma_start3A_99] : memref<13x512xi32, #tpu.memory_space<vmem>> -> memref<1x16xi32, #tpu.memory_space<vmem>>
    %dma_start3A_101 = tpu.memref_squeeze %dma_start3A_100 : memref<1x16xi32, #tpu.memory_space<vmem>> -> memref<16xi32, #tpu.memory_space<vmem>>
    %dma_start3A_102 = arith.constant 0 : i32
    %dma_start3A_103 = arith.constant 0 : i32
    %dma_start3A_104 = tpu.memref_slice %arg3[%dma_start3A_102, %dma_start3A_103] : memref<130000x128xf32, #tpu.memory_space<hbm>> -> memref<130000x128xf32, #tpu.memory_space<hbm>>
    tpu.enqueue_indirect_dma source(%dma_start3A_104 : memref<130000x128xf32, #tpu.memory_space<hbm>>) target(%dma_start3A_98 : memref<16x128xf32, #tpu.memory_space<vmem>>) offsets(%dma_start3A_101 : memref<16xi32, #tpu.memory_space<vmem>>) semaphore(%arg9 : memref<!tpu.dma_semaphore, #tpu.memory_space<semaphore_mem>>)
    %dma_start3A_105 = arith.constant 9 : i32
    %dma_start3A_106 = arith.constant 0 : i32
    %dma_start3A_107 = arith.constant 1152 : i32
    %dma_start3A_108 = tpu.memref_slice %arg6[%dma_start3A_106, %dma_start3A_107] : memref<16x1664xf32, #tpu.memory_space<vmem>> -> memref<16x128xf32, #tpu.memory_space<vmem>>
    %dma_start3A_109 = arith.constant 0 : i32
    %dma_start3A_110 = tpu.memref_slice %arg5[%dma_start3A_105, %dma_start3A_109] : memref<13x512xi32, #tpu.memory_space<vmem>> -> memref<1x16xi32, #tpu.memory_space<vmem>>
    %dma_start3A_111 = tpu.memref_squeeze %dma_start3A_110 : memref<1x16xi32, #tpu.memory_space<vmem>> -> memref<16xi32, #tpu.memory_space<vmem>>
    %dma_start3A_112 = arith.constant 0 : i32
    %dma_start3A_113 = arith.constant 0 : i32
    %dma_start3A_114 = tpu.memref_slice %arg3[%dma_start3A_112, %dma_start3A_113] : memref<130000x128xf32, #tpu.memory_space<hbm>> -> memref<130000x128xf32, #tpu.memory_space<hbm>>
    tpu.enqueue_indirect_dma source(%dma_start3A_114 : memref<130000x128xf32, #tpu.memory_space<hbm>>) target(%dma_start3A_108 : memref<16x128xf32, #tpu.memory_space<vmem>>) offsets(%dma_start3A_111 : memref<16xi32, #tpu.memory_space<vmem>>) semaphore(%arg9 : memref<!tpu.dma_semaphore, #tpu.memory_space<semaphore_mem>>)
    %dma_start3A_115 = arith.constant 10 : i32
    %dma_start3A_116 = arith.constant 0 : i32
    %dma_start3A_117 = arith.constant 1280 : i32
    %dma_start3A_118 = tpu.memref_slice %arg6[%dma_start3A_116, %dma_start3A_117] : memref<16x1664xf32, #tpu.memory_space<vmem>> -> memref<16x128xf32, #tpu.memory_space<vmem>>
    %dma_start3A_119 = arith.constant 0 : i32
    %dma_start3A_120 = tpu.memref_slice %arg5[%dma_start3A_115, %dma_start3A_119] : memref<13x512xi32, #tpu.memory_space<vmem>> -> memref<1x16xi32, #tpu.memory_space<vmem>>
    %dma_start3A_121 = tpu.memref_squeeze %dma_start3A_120 : memref<1x16xi32, #tpu.memory_space<vmem>> -> memref<16xi32, #tpu.memory_space<vmem>>
    %dma_start3A_122 = arith.constant 0 : i32
    %dma_start3A_123 = arith.constant 0 : i32
    %dma_start3A_124 = tpu.memref_slice %arg3[%dma_start3A_122, %dma_start3A_123] : memref<130000x128xf32, #tpu.memory_space<hbm>> -> memref<130000x128xf32, #tpu.memory_space<hbm>>
    tpu.enqueue_indirect_dma source(%dma_start3A_124 : memref<130000x128xf32, #tpu.memory_space<hbm>>) target(%dma_start3A_118 : memref<16x128xf32, #tpu.memory_space<vmem>>) offsets(%dma_start3A_121 : memref<16xi32, #tpu.memory_space<vmem>>) semaphore(%arg9 : memref<!tpu.dma_semaphore, #tpu.memory_space<semaphore_mem>>)
    %dma_start3A_125 = arith.constant 11 : i32
    %dma_start3A_126 = arith.constant 0 : i32
    %dma_start3A_127 = arith.constant 1408 : i32
    %dma_start3A_128 = tpu.memref_slice %arg6[%dma_start3A_126, %dma_start3A_127] : memref<16x1664xf32, #tpu.memory_space<vmem>> -> memref<16x128xf32, #tpu.memory_space<vmem>>
    %dma_start3A_129 = arith.constant 0 : i32
    %dma_start3A_130 = tpu.memref_slice %arg5[%dma_start3A_125, %dma_start3A_129] : memref<13x512xi32, #tpu.memory_space<vmem>> -> memref<1x16xi32, #tpu.memory_space<vmem>>
    %dma_start3A_131 = tpu.memref_squeeze %dma_start3A_130 : memref<1x16xi32, #tpu.memory_space<vmem>> -> memref<16xi32, #tpu.memory_space<vmem>>
    %dma_start3A_132 = arith.constant 0 : i32
    %dma_start3A_133 = arith.constant 0 : i32
    %dma_start3A_134 = tpu.memref_slice %arg3[%dma_start3A_132, %dma_start3A_133] : memref<130000x128xf32, #tpu.memory_space<hbm>> -> memref<130000x128xf32, #tpu.memory_space<hbm>>
    tpu.enqueue_indirect_dma source(%dma_start3A_134 : memref<130000x128xf32, #tpu.memory_space<hbm>>) target(%dma_start3A_128 : memref<16x128xf32, #tpu.memory_space<vmem>>) offsets(%dma_start3A_131 : memref<16xi32, #tpu.memory_space<vmem>>) semaphore(%arg9 : memref<!tpu.dma_semaphore, #tpu.memory_space<semaphore_mem>>)
    %dma_start3A_135 = arith.constant 12 : i32
    %dma_start3A_136 = arith.constant 0 : i32
    %dma_start3A_137 = arith.constant 1536 : i32
    %dma_start3A_138 = tpu.memref_slice %arg6[%dma_start3A_136, %dma_start3A_137] : memref<16x1664xf32, #tpu.memory_space<vmem>> -> memref<16x128xf32, #tpu.memory_space<vmem>>
    %dma_start3A_139 = arith.constant 0 : i32
    %dma_start3A_140 = tpu.memref_slice %arg5[%dma_start3A_135, %dma_start3A_139] : memref<13x512xi32, #tpu.memory_space<vmem>> -> memref<1x16xi32, #tpu.memory_space<vmem>>
    %dma_start3A_141 = tpu.memref_squeeze %dma_start3A_140 : memref<1x16xi32, #tpu.memory_space<vmem>> -> memref<16xi32, #tpu.memory_space<vmem>>
    %dma_start3A_142 = arith.constant 0 : i32
    %dma_start3A_143 = arith.constant 0 : i32
    %dma_start3A_144 = tpu.memref_slice %arg3[%dma_start3A_142, %dma_start3A_143] : memref<130000x128xf32, #tpu.memory_space<hbm>> -> memref<130000x128xf32, #tpu.memory_space<hbm>>
    tpu.enqueue_indirect_dma source(%dma_start3A_144 : memref<130000x128xf32, #tpu.memory_space<hbm>>) target(%dma_start3A_138 : memref<16x128xf32, #tpu.memory_space<vmem>>) offsets(%dma_start3A_141 : memref<16xi32, #tpu.memory_space<vmem>>) semaphore(%arg9 : memref<!tpu.dma_semaphore, #tpu.memory_space<semaphore_mem>>)
    %scan3A = arith.constant 0 : i32
    %scan3A_145 = arith.constant 0 : i32
    %scan3A_146 = arith.constant 16 : i32
    %scan3A_147 = arith.addi %scan3A_145, %scan3A_146 : i32
    %scan3A_148 = arith.constant 1 : i32
    scf.for %scan3A_156 = %scan3A_145 to %scan3A_147 step %scan3A_148  : i32 {
      %mul3A_157 = arith.constant 2 : i32
      %mul3A_158 = arith.muli %mul3A_157, %scan3A_156 : i32
      %add3A_159 = arith.constant 1 : i32
      %add3A_160 = arith.addi %mul3A_158, %add3A_159 : i32
      %mul3A_161 = arith.constant 16 : i32
      %mul3A_162 = arith.muli %add3A_160, %mul3A_161 : i32
      %dma_start3A_163 = arith.constant 0 : i32
      %dma_start3A_164 = arith.constant 0 : i32
      %dma_start3A_165 = arith.constant 0 : i32
      %dma_start3A_166 = tpu.memref_slice %arg7[%dma_start3A_164, %dma_start3A_165] : memref<16x1664xf32, #tpu.memory_space<vmem>> -> memref<16x128xf32, #tpu.memory_space<vmem>>
      %dma_start3A_167 = tpu.memref_slice %arg5[%dma_start3A_163, %mul3A_162] : memref<13x512xi32, #tpu.memory_space<vmem>> -> memref<1x16xi32, #tpu.memory_space<vmem>>
      %dma_start3A_168 = tpu.memref_squeeze %dma_start3A_167 : memref<1x16xi32, #tpu.memory_space<vmem>> -> memref<16xi32, #tpu.memory_space<vmem>>
      %dma_start3A_169 = arith.constant 0 : i32
      %dma_start3A_170 = arith.constant 0 : i32
      %dma_start3A_171 = tpu.memref_slice %arg3[%dma_start3A_169, %dma_start3A_170] : memref<130000x128xf32, #tpu.memory_space<hbm>> -> memref<130000x128xf32, #tpu.memory_space<hbm>>
      tpu.enqueue_indirect_dma source(%dma_start3A_171 : memref<130000x128xf32, #tpu.memory_space<hbm>>) target(%dma_start3A_166 : memref<16x128xf32, #tpu.memory_space<vmem>>) offsets(%dma_start3A_168 : memref<16xi32, #tpu.memory_space<vmem>>) semaphore(%arg10 : memref<!tpu.dma_semaphore, #tpu.memory_space<semaphore_mem>>)
      %mul3A_172 = arith.constant 16 : i32
      %mul3A_173 = arith.muli %add3A_160, %mul3A_172 : i32
      %dma_start3A_174 = arith.constant 1 : i32
      %dma_start3A_175 = arith.constant 0 : i32
      %dma_start3A_176 = arith.constant 128 : i32
      %dma_start3A_177 = tpu.memref_slice %arg7[%dma_start3A_175, %dma_start3A_176] : memref<16x1664xf32, #tpu.memory_space<vmem>> -> memref<16x128xf32, #tpu.memory_space<vmem>>
      %dma_start3A_178 = tpu.memref_slice %arg5[%dma_start3A_174, %mul3A_173] : memref<13x512xi32, #tpu.memory_space<vmem>> -> memref<1x16xi32, #tpu.memory_space<vmem>>
      %dma_start3A_179 = tpu.memref_squeeze %dma_start3A_178 : memref<1x16xi32, #tpu.memory_space<vmem>> -> memref<16xi32, #tpu.memory_space<vmem>>
      %dma_start3A_180 = arith.constant 0 : i32
      %dma_start3A_181 = arith.constant 0 : i32
      %dma_start3A_182 = tpu.memref_slice %arg3[%dma_start3A_180, %dma_start3A_181] : memref<130000x128xf32, #tpu.memory_space<hbm>> -> memref<130000x128xf32, #tpu.memory_space<hbm>>
      tpu.enqueue_indirect_dma source(%dma_start3A_182 : memref<130000x128xf32, #tpu.memory_space<hbm>>) target(%dma_start3A_177 : memref<16x128xf32, #tpu.memory_space<vmem>>) offsets(%dma_start3A_179 : memref<16xi32, #tpu.memory_space<vmem>>) semaphore(%arg10 : memref<!tpu.dma_semaphore, #tpu.memory_space<semaphore_mem>>)
      %mul3A_183 = arith.constant 16 : i32
      %mul3A_184 = arith.muli %add3A_160, %mul3A_183 : i32
      %dma_start3A_185 = arith.constant 2 : i32
      %dma_start3A_186 = arith.constant 0 : i32
      %dma_start3A_187 = arith.constant 256 : i32
      %dma_start3A_188 = tpu.memref_slice %arg7[%dma_start3A_186, %dma_start3A_187] : memref<16x1664xf32, #tpu.memory_space<vmem>> -> memref<16x128xf32, #tpu.memory_space<vmem>>
      %dma_start3A_189 = tpu.memref_slice %arg5[%dma_start3A_185, %mul3A_184] : memref<13x512xi32, #tpu.memory_space<vmem>> -> memref<1x16xi32, #tpu.memory_space<vmem>>
      %dma_start3A_190 = tpu.memref_squeeze %dma_start3A_189 : memref<1x16xi32, #tpu.memory_space<vmem>> -> memref<16xi32, #tpu.memory_space<vmem>>
      %dma_start3A_191 = arith.constant 0 : i32
      %dma_start3A_192 = arith.constant 0 : i32
      %dma_start3A_193 = tpu.memref_slice %arg3[%dma_start3A_191, %dma_start3A_192] : memref<130000x128xf32, #tpu.memory_space<hbm>> -> memref<130000x128xf32, #tpu.memory_space<hbm>>
      tpu.enqueue_indirect_dma source(%dma_start3A_193 : memref<130000x128xf32, #tpu.memory_space<hbm>>) target(%dma_start3A_188 : memref<16x128xf32, #tpu.memory_space<vmem>>) offsets(%dma_start3A_190 : memref<16xi32, #tpu.memory_space<vmem>>) semaphore(%arg10 : memref<!tpu.dma_semaphore, #tpu.memory_space<semaphore_mem>>)
      %mul3A_194 = arith.constant 16 : i32
      %mul3A_195 = arith.muli %add3A_160, %mul3A_194 : i32
      %dma_start3A_196 = arith.constant 3 : i32
      %dma_start3A_197 = arith.constant 0 : i32
      %dma_start3A_198 = arith.constant 384 : i32
      %dma_start3A_199 = tpu.memref_slice %arg7[%dma_start3A_197, %dma_start3A_198] : memref<16x1664xf32, #tpu.memory_space<vmem>> -> memref<16x128xf32, #tpu.memory_space<vmem>>
      %dma_start3A_200 = tpu.memref_slice %arg5[%dma_start3A_196, %mul3A_195] : memref<13x512xi32, #tpu.memory_space<vmem>> -> memref<1x16xi32, #tpu.memory_space<vmem>>
      %dma_start3A_201 = tpu.memref_squeeze %dma_start3A_200 : memref<1x16xi32, #tpu.memory_space<vmem>> -> memref<16xi32, #tpu.memory_space<vmem>>
      %dma_start3A_202 = arith.constant 0 : i32
      %dma_start3A_203 = arith.constant 0 : i32
      %dma_start3A_204 = tpu.memref_slice %arg3[%dma_start3A_202, %dma_start3A_203] : memref<130000x128xf32, #tpu.memory_space<hbm>> -> memref<130000x128xf32, #tpu.memory_space<hbm>>
      tpu.enqueue_indirect_dma source(%dma_start3A_204 : memref<130000x128xf32, #tpu.memory_space<hbm>>) target(%dma_start3A_199 : memref<16x128xf32, #tpu.memory_space<vmem>>) offsets(%dma_start3A_201 : memref<16xi32, #tpu.memory_space<vmem>>) semaphore(%arg10 : memref<!tpu.dma_semaphore, #tpu.memory_space<semaphore_mem>>)
      %mul3A_205 = arith.constant 16 : i32
      %mul3A_206 = arith.muli %add3A_160, %mul3A_205 : i32
      %dma_start3A_207 = arith.constant 4 : i32
      %dma_start3A_208 = arith.constant 0 : i32
      %dma_start3A_209 = arith.constant 512 : i32
      %dma_start3A_210 = tpu.memref_slice %arg7[%dma_start3A_208, %dma_start3A_209] : memref<16x1664xf32, #tpu.memory_space<vmem>> -> memref<16x128xf32, #tpu.memory_space<vmem>>
      %dma_start3A_211 = tpu.memref_slice %arg5[%dma_start3A_207, %mul3A_206] : memref<13x512xi32, #tpu.memory_space<vmem>> -> memref<1x16xi32, #tpu.memory_space<vmem>>
      %dma_start3A_212 = tpu.memref_squeeze %dma_start3A_211 : memref<1x16xi32, #tpu.memory_space<vmem>> -> memref<16xi32, #tpu.memory_space<vmem>>
      %dma_start3A_213 = arith.constant 0 : i32
      %dma_start3A_214 = arith.constant 0 : i32
      %dma_start3A_215 = tpu.memref_slice %arg3[%dma_start3A_213, %dma_start3A_214] : memref<130000x128xf32, #tpu.memory_space<hbm>> -> memref<130000x128xf32, #tpu.memory_space<hbm>>
      tpu.enqueue_indirect_dma source(%dma_start3A_215 : memref<130000x128xf32, #tpu.memory_space<hbm>>) target(%dma_start3A_210 : memref<16x128xf32, #tpu.memory_space<vmem>>) offsets(%dma_start3A_212 : memref<16xi32, #tpu.memory_space<vmem>>) semaphore(%arg10 : memref<!tpu.dma_semaphore, #tpu.memory_space<semaphore_mem>>)
      %mul3A_216 = arith.constant 16 : i32
      %mul3A_217 = arith.muli %add3A_160, %mul3A_216 : i32
      %dma_start3A_218 = arith.constant 5 : i32
      %dma_start3A_219 = arith.constant 0 : i32
      %dma_start3A_220 = arith.constant 640 : i32
      %dma_start3A_221 = tpu.memref_slice %arg7[%dma_start3A_219, %dma_start3A_220] : memref<16x1664xf32, #tpu.memory_space<vmem>> -> memref<16x128xf32, #tpu.memory_space<vmem>>
      %dma_start3A_222 = tpu.memref_slice %arg5[%dma_start3A_218, %mul3A_217] : memref<13x512xi32, #tpu.memory_space<vmem>> -> memref<1x16xi32, #tpu.memory_space<vmem>>
      %dma_start3A_223 = tpu.memref_squeeze %dma_start3A_222 : memref<1x16xi32, #tpu.memory_space<vmem>> -> memref<16xi32, #tpu.memory_space<vmem>>
      %dma_start3A_224 = arith.constant 0 : i32
      %dma_start3A_225 = arith.constant 0 : i32
      %dma_start3A_226 = tpu.memref_slice %arg3[%dma_start3A_224, %dma_start3A_225] : memref<130000x128xf32, #tpu.memory_space<hbm>> -> memref<130000x128xf32, #tpu.memory_space<hbm>>
      tpu.enqueue_indirect_dma source(%dma_start3A_226 : memref<130000x128xf32, #tpu.memory_space<hbm>>) target(%dma_start3A_221 : memref<16x128xf32, #tpu.memory_space<vmem>>) offsets(%dma_start3A_223 : memref<16xi32, #tpu.memory_space<vmem>>) semaphore(%arg10 : memref<!tpu.dma_semaphore, #tpu.memory_space<semaphore_mem>>)
      %mul3A_227 = arith.constant 16 : i32
      %mul3A_228 = arith.muli %add3A_160, %mul3A_227 : i32
      %dma_start3A_229 = arith.constant 6 : i32
      %dma_start3A_230 = arith.constant 0 : i32
      %dma_start3A_231 = arith.constant 768 : i32
      %dma_start3A_232 = tpu.memref_slice %arg7[%dma_start3A_230, %dma_start3A_231] : memref<16x1664xf32, #tpu.memory_space<vmem>> -> memref<16x128xf32, #tpu.memory_space<vmem>>
      %dma_start3A_233 = tpu.memref_slice %arg5[%dma_start3A_229, %mul3A_228] : memref<13x512xi32, #tpu.memory_space<vmem>> -> memref<1x16xi32, #tpu.memory_space<vmem>>
      %dma_start3A_234 = tpu.memref_squeeze %dma_start3A_233 : memref<1x16xi32, #tpu.memory_space<vmem>> -> memref<16xi32, #tpu.memory_space<vmem>>
      %dma_start3A_235 = arith.constant 0 : i32
      %dma_start3A_236 = arith.constant 0 : i32
      %dma_start3A_237 = tpu.memref_slice %arg3[%dma_start3A_235, %dma_start3A_236] : memref<130000x128xf32, #tpu.memory_space<hbm>> -> memref<130000x128xf32, #tpu.memory_space<hbm>>
      tpu.enqueue_indirect_dma source(%dma_start3A_237 : memref<130000x128xf32, #tpu.memory_space<hbm>>) target(%dma_start3A_232 : memref<16x128xf32, #tpu.memory_space<vmem>>) offsets(%dma_start3A_234 : memref<16xi32, #tpu.memory_space<vmem>>) semaphore(%arg10 : memref<!tpu.dma_semaphore, #tpu.memory_space<semaphore_mem>>)
      %mul3A_238 = arith.constant 16 : i32
      %mul3A_239 = arith.muli %add3A_160, %mul3A_238 : i32
      %dma_start3A_240 = arith.constant 7 : i32
      %dma_start3A_241 = arith.constant 0 : i32
      %dma_start3A_242 = arith.constant 896 : i32
      %dma_start3A_243 = tpu.memref_slice %arg7[%dma_start3A_241, %dma_start3A_242] : memref<16x1664xf32, #tpu.memory_space<vmem>> -> memref<16x128xf32, #tpu.memory_space<vmem>>
      %dma_start3A_244 = tpu.memref_slice %arg5[%dma_start3A_240, %mul3A_239] : memref<13x512xi32, #tpu.memory_space<vmem>> -> memref<1x16xi32, #tpu.memory_space<vmem>>
      %dma_start3A_245 = tpu.memref_squeeze %dma_start3A_244 : memref<1x16xi32, #tpu.memory_space<vmem>> -> memref<16xi32, #tpu.memory_space<vmem>>
      %dma_start3A_246 = arith.constant 0 : i32
      %dma_start3A_247 = arith.constant 0 : i32
      %dma_start3A_248 = tpu.memref_slice %arg3[%dma_start3A_246, %dma_start3A_247] : memref<130000x128xf32, #tpu.memory_space<hbm>> -> memref<130000x128xf32, #tpu.memory_space<hbm>>
      tpu.enqueue_indirect_dma source(%dma_start3A_248 : memref<130000x128xf32, #tpu.memory_space<hbm>>) target(%dma_start3A_243 : memref<16x128xf32, #tpu.memory_space<vmem>>) offsets(%dma_start3A_245 : memref<16xi32, #tpu.memory_space<vmem>>) semaphore(%arg10 : memref<!tpu.dma_semaphore, #tpu.memory_space<semaphore_mem>>)
      %mul3A_249 = arith.constant 16 : i32
      %mul3A_250 = arith.muli %add3A_160, %mul3A_249 : i32
      %dma_start3A_251 = arith.constant 8 : i32
      %dma_start3A_252 = arith.constant 0 : i32
      %dma_start3A_253 = arith.constant 1024 : i32
      %dma_start3A_254 = tpu.memref_slice %arg7[%dma_start3A_252, %dma_start3A_253] : memref<16x1664xf32, #tpu.memory_space<vmem>> -> memref<16x128xf32, #tpu.memory_space<vmem>>
      %dma_start3A_255 = tpu.memref_slice %arg5[%dma_start3A_251, %mul3A_250] : memref<13x512xi32, #tpu.memory_space<vmem>> -> memref<1x16xi32, #tpu.memory_space<vmem>>
      %dma_start3A_256 = tpu.memref_squeeze %dma_start3A_255 : memref<1x16xi32, #tpu.memory_space<vmem>> -> memref<16xi32, #tpu.memory_space<vmem>>
      %dma_start3A_257 = arith.constant 0 : i32
      %dma_start3A_258 = arith.constant 0 : i32
      %dma_start3A_259 = tpu.memref_slice %arg3[%dma_start3A_257, %dma_start3A_258] : memref<130000x128xf32, #tpu.memory_space<hbm>> -> memref<130000x128xf32, #tpu.memory_space<hbm>>
      tpu.enqueue_indirect_dma source(%dma_start3A_259 : memref<130000x128xf32, #tpu.memory_space<hbm>>) target(%dma_start3A_254 : memref<16x128xf32, #tpu.memory_space<vmem>>) offsets(%dma_start3A_256 : memref<16xi32, #tpu.memory_space<vmem>>) semaphore(%arg10 : memref<!tpu.dma_semaphore, #tpu.memory_space<semaphore_mem>>)
      %mul3A_260 = arith.constant 16 : i32
      %mul3A_261 = arith.muli %add3A_160, %mul3A_260 : i32
      %dma_start3A_262 = arith.constant 9 : i32
      %dma_start3A_263 = arith.constant 0 : i32
      %dma_start3A_264 = arith.constant 1152 : i32
      %dma_start3A_265 = tpu.memref_slice %arg7[%dma_start3A_263, %dma_start3A_264] : memref<16x1664xf32, #tpu.memory_space<vmem>> -> memref<16x128xf32, #tpu.memory_space<vmem>>
      %dma_start3A_266 = tpu.memref_slice %arg5[%dma_start3A_262, %mul3A_261] : memref<13x512xi32, #tpu.memory_space<vmem>> -> memref<1x16xi32, #tpu.memory_space<vmem>>
      %dma_start3A_267 = tpu.memref_squeeze %dma_start3A_266 : memref<1x16xi32, #tpu.memory_space<vmem>> -> memref<16xi32, #tpu.memory_space<vmem>>
      %dma_start3A_268 = arith.constant 0 : i32
      %dma_start3A_269 = arith.constant 0 : i32
      %dma_start3A_270 = tpu.memref_slice %arg3[%dma_start3A_268, %dma_start3A_269] : memref<130000x128xf32, #tpu.memory_space<hbm>> -> memref<130000x128xf32, #tpu.memory_space<hbm>>
      tpu.enqueue_indirect_dma source(%dma_start3A_270 : memref<130000x128xf32, #tpu.memory_space<hbm>>) target(%dma_start3A_265 : memref<16x128xf32, #tpu.memory_space<vmem>>) offsets(%dma_start3A_267 : memref<16xi32, #tpu.memory_space<vmem>>) semaphore(%arg10 : memref<!tpu.dma_semaphore, #tpu.memory_space<semaphore_mem>>)
      %mul3A_271 = arith.constant 16 : i32
      %mul3A_272 = arith.muli %add3A_160, %mul3A_271 : i32
      %dma_start3A_273 = arith.constant 10 : i32
      %dma_start3A_274 = arith.constant 0 : i32
      %dma_start3A_275 = arith.constant 1280 : i32
      %dma_start3A_276 = tpu.memref_slice %arg7[%dma_start3A_274, %dma_start3A_275] : memref<16x1664xf32, #tpu.memory_space<vmem>> -> memref<16x128xf32, #tpu.memory_space<vmem>>
      %dma_start3A_277 = tpu.memref_slice %arg5[%dma_start3A_273, %mul3A_272] : memref<13x512xi32, #tpu.memory_space<vmem>> -> memref<1x16xi32, #tpu.memory_space<vmem>>
      %dma_start3A_278 = tpu.memref_squeeze %dma_start3A_277 : memref<1x16xi32, #tpu.memory_space<vmem>> -> memref<16xi32, #tpu.memory_space<vmem>>
      %dma_start3A_279 = arith.constant 0 : i32
      %dma_start3A_280 = arith.constant 0 : i32
      %dma_start3A_281 = tpu.memref_slice %arg3[%dma_start3A_279, %dma_start3A_280] : memref<130000x128xf32, #tpu.memory_space<hbm>> -> memref<130000x128xf32, #tpu.memory_space<hbm>>
      tpu.enqueue_indirect_dma source(%dma_start3A_281 : memref<130000x128xf32, #tpu.memory_space<hbm>>) target(%dma_start3A_276 : memref<16x128xf32, #tpu.memory_space<vmem>>) offsets(%dma_start3A_278 : memref<16xi32, #tpu.memory_space<vmem>>) semaphore(%arg10 : memref<!tpu.dma_semaphore, #tpu.memory_space<semaphore_mem>>)
      %mul3A_282 = arith.constant 16 : i32
      %mul3A_283 = arith.muli %add3A_160, %mul3A_282 : i32
      %dma_start3A_284 = arith.constant 11 : i32
      %dma_start3A_285 = arith.constant 0 : i32
      %dma_start3A_286 = arith.constant 1408 : i32
      %dma_start3A_287 = tpu.memref_slice %arg7[%dma_start3A_285, %dma_start3A_286] : memref<16x1664xf32, #tpu.memory_space<vmem>> -> memref<16x128xf32, #tpu.memory_space<vmem>>
      %dma_start3A_288 = tpu.memref_slice %arg5[%dma_start3A_284, %mul3A_283] : memref<13x512xi32, #tpu.memory_space<vmem>> -> memref<1x16xi32, #tpu.memory_space<vmem>>
      %dma_start3A_289 = tpu.memref_squeeze %dma_start3A_288 : memref<1x16xi32, #tpu.memory_space<vmem>> -> memref<16xi32, #tpu.memory_space<vmem>>
      %dma_start3A_290 = arith.constant 0 : i32
      %dma_start3A_291 = arith.constant 0 : i32
      %dma_start3A_292 = tpu.memref_slice %arg3[%dma_start3A_290, %dma_start3A_291] : memref<130000x128xf32, #tpu.memory_space<hbm>> -> memref<130000x128xf32, #tpu.memory_space<hbm>>
      tpu.enqueue_indirect_dma source(%dma_start3A_292 : memref<130000x128xf32, #tpu.memory_space<hbm>>) target(%dma_start3A_287 : memref<16x128xf32, #tpu.memory_space<vmem>>) offsets(%dma_start3A_289 : memref<16xi32, #tpu.memory_space<vmem>>) semaphore(%arg10 : memref<!tpu.dma_semaphore, #tpu.memory_space<semaphore_mem>>)
      %mul3A_293 = arith.constant 16 : i32
      %mul3A_294 = arith.muli %add3A_160, %mul3A_293 : i32
      %dma_start3A_295 = arith.constant 12 : i32
      %dma_start3A_296 = arith.constant 0 : i32
      %dma_start3A_297 = arith.constant 1536 : i32
      %dma_start3A_298 = tpu.memref_slice %arg7[%dma_start3A_296, %dma_start3A_297] : memref<16x1664xf32, #tpu.memory_space<vmem>> -> memref<16x128xf32, #tpu.memory_space<vmem>>
      %dma_start3A_299 = tpu.memref_slice %arg5[%dma_start3A_295, %mul3A_294] : memref<13x512xi32, #tpu.memory_space<vmem>> -> memref<1x16xi32, #tpu.memory_space<vmem>>
      %dma_start3A_300 = tpu.memref_squeeze %dma_start3A_299 : memref<1x16xi32, #tpu.memory_space<vmem>> -> memref<16xi32, #tpu.memory_space<vmem>>
      %dma_start3A_301 = arith.constant 0 : i32
      %dma_start3A_302 = arith.constant 0 : i32
      %dma_start3A_303 = tpu.memref_slice %arg3[%dma_start3A_301, %dma_start3A_302] : memref<130000x128xf32, #tpu.memory_space<hbm>> -> memref<130000x128xf32, #tpu.memory_space<hbm>>
      tpu.enqueue_indirect_dma source(%dma_start3A_303 : memref<130000x128xf32, #tpu.memory_space<hbm>>) target(%dma_start3A_298 : memref<16x128xf32, #tpu.memory_space<vmem>>) offsets(%dma_start3A_300 : memref<16xi32, #tpu.memory_space<vmem>>) semaphore(%arg10 : memref<!tpu.dma_semaphore, #tpu.memory_space<semaphore_mem>>)
      %dma_wait3A_304 = arith.constant 0 : i32
      %dma_wait3A_305 = arith.constant 0 : i32
      %dma_wait3A_306 = tpu.memref_slice %arg4[%dma_wait3A_304, %dma_wait3A_305] : memref<16384x1664xf32, #tpu.memory_space<hbm>> -> memref<16x1664xf32, #tpu.memory_space<hbm>>
      %dma_wait3A_307 = arith.constant 0 : i32
      %dma_wait3A_308 = arith.constant 0 : i32
      %dma_wait3A_309 = tpu.memref_slice %arg4[%dma_wait3A_307, %dma_wait3A_308] : memref<16384x1664xf32, #tpu.memory_space<hbm>> -> memref<16x1664xf32, #tpu.memory_space<hbm>>
      tpu.wait_dma2 semaphore(%arg9 : memref<!tpu.dma_semaphore, #tpu.memory_space<semaphore_mem>>) src(%dma_wait3A_309 : memref<16x1664xf32, #tpu.memory_space<hbm>>) dst(%arg6 : memref<16x1664xf32, #tpu.memory_space<vmem>>)
      %mul3A_310 = arith.constant 16 : i32
      %mul3A_311 = arith.muli %mul3A_158, %mul3A_310 : i32
      %add3A_312 = arith.addi %mul3A_2, %mul3A_311 : i32
      "tpu.region"() ({
        %run_scoped3A = tpu.sem_alloc : memref<!tpu.dma_semaphore, #tpu.memory_space<semaphore_mem>>
        %dma_start3A_470 = arith.constant 0 : i32
        %dma_start3A_471 = tpu.memref_slice %arg4[%add3A_312, %dma_start3A_470] : memref<16384x1664xf32, #tpu.memory_space<hbm>> -> memref<16x1664xf32, #tpu.memory_space<hbm>>
        %dma_start3A_472 = arith.constant 0 : i32
        %dma_start3A_473 = tpu.memref_slice %arg4[%add3A_312, %dma_start3A_472] : memref<16384x1664xf32, #tpu.memory_space<hbm>> -> memref<16x1664xf32, #tpu.memory_space<hbm>>
        tpu.enqueue_dma source(%arg6 : memref<16x1664xf32, #tpu.memory_space<vmem>>) target(%dma_start3A_473 : memref<16x1664xf32, #tpu.memory_space<hbm>>) target_semaphore(%run_scoped3A : memref<!tpu.dma_semaphore, #tpu.memory_space<semaphore_mem>>)
        %dma_wait3A_474 = arith.constant 0 : i32
        %dma_wait3A_475 = tpu.memref_slice %arg4[%add3A_312, %dma_wait3A_474] : memref<16384x1664xf32, #tpu.memory_space<hbm>> -> memref<16x1664xf32, #tpu.memory_space<hbm>>
        %dma_wait3A_476 = arith.constant 0 : i32
        %dma_wait3A_477 = tpu.memref_slice %arg4[%add3A_312, %dma_wait3A_476] : memref<16384x1664xf32, #tpu.memory_space<hbm>> -> memref<16x1664xf32, #tpu.memory_space<hbm>>
        tpu.wait_dma2 semaphore(%run_scoped3A : memref<!tpu.dma_semaphore, #tpu.memory_space<semaphore_mem>>) src(%arg6 : memref<16x1664xf32, #tpu.memory_space<vmem>>) dst(%dma_wait3A_477 : memref<16x1664xf32, #tpu.memory_space<hbm>>)
        tpu.yield
      }) : () -> ()
      %add3A_313 = arith.constant 2 : i32
      %add3A_314 = arith.addi %mul3A_158, %add3A_313 : i32
      %min3A = arith.constant 31 : i32
      %min3A_315 = arith.minsi %add3A_314, %min3A : i32
      %mul3A_316 = arith.constant 16 : i32
      %mul3A_317 = arith.muli %min3A_315, %mul3A_316 : i32
      %dma_start3A_318 = arith.constant 0 : i32
      %dma_start3A_319 = arith.constant 0 : i32
      %dma_start3A_320 = arith.constant 0 : i32
      %dma_start3A_321 = tpu.memref_slice %arg6[%dma_start3A_319, %dma_start3A_320] : memref<16x1664xf32, #tpu.memory_space<vmem>> -> memref<16x128xf32, #tpu.memory_space<vmem>>
      %dma_start3A_322 = tpu.memref_slice %arg5[%dma_start3A_318, %mul3A_317] : memref<13x512xi32, #tpu.memory_space<vmem>> -> memref<1x16xi32, #tpu.memory_space<vmem>>
      %dma_start3A_323 = tpu.memref_squeeze %dma_start3A_322 : memref<1x16xi32, #tpu.memory_space<vmem>> -> memref<16xi32, #tpu.memory_space<vmem>>
      %dma_start3A_324 = arith.constant 0 : i32
      %dma_start3A_325 = arith.constant 0 : i32
      %dma_start3A_326 = tpu.memref_slice %arg3[%dma_start3A_324, %dma_start3A_325] : memref<130000x128xf32, #tpu.memory_space<hbm>> -> memref<130000x128xf32, #tpu.memory_space<hbm>>
      tpu.enqueue_indirect_dma source(%dma_start3A_326 : memref<130000x128xf32, #tpu.memory_space<hbm>>) target(%dma_start3A_321 : memref<16x128xf32, #tpu.memory_space<vmem>>) offsets(%dma_start3A_323 : memref<16xi32, #tpu.memory_space<vmem>>) semaphore(%arg9 : memref<!tpu.dma_semaphore, #tpu.memory_space<semaphore_mem>>)
      %mul3A_327 = arith.constant 16 : i32
      %mul3A_328 = arith.muli %min3A_315, %mul3A_327 : i32
      %dma_start3A_329 = arith.constant 1 : i32
      %dma_start3A_330 = arith.constant 0 : i32
      %dma_start3A_331 = arith.constant 128 : i32
      %dma_start3A_332 = tpu.memref_slice %arg6[%dma_start3A_330, %dma_start3A_331] : memref<16x1664xf32, #tpu.memory_space<vmem>> -> memref<16x128xf32, #tpu.memory_space<vmem>>
      %dma_start3A_333 = tpu.memref_slice %arg5[%dma_start3A_329, %mul3A_328] : memref<13x512xi32, #tpu.memory_space<vmem>> -> memref<1x16xi32, #tpu.memory_space<vmem>>
      %dma_start3A_334 = tpu.memref_squeeze %dma_start3A_333 : memref<1x16xi32, #tpu.memory_space<vmem>> -> memref<16xi32, #tpu.memory_space<vmem>>
      %dma_start3A_335 = arith.constant 0 : i32
      %dma_start3A_336 = arith.constant 0 : i32
      %dma_start3A_337 = tpu.memref_slice %arg3[%dma_start3A_335, %dma_start3A_336] : memref<130000x128xf32, #tpu.memory_space<hbm>> -> memref<130000x128xf32, #tpu.memory_space<hbm>>
      tpu.enqueue_indirect_dma source(%dma_start3A_337 : memref<130000x128xf32, #tpu.memory_space<hbm>>) target(%dma_start3A_332 : memref<16x128xf32, #tpu.memory_space<vmem>>) offsets(%dma_start3A_334 : memref<16xi32, #tpu.memory_space<vmem>>) semaphore(%arg9 : memref<!tpu.dma_semaphore, #tpu.memory_space<semaphore_mem>>)
      %mul3A_338 = arith.constant 16 : i32
      %mul3A_339 = arith.muli %min3A_315, %mul3A_338 : i32
      %dma_start3A_340 = arith.constant 2 : i32
      %dma_start3A_341 = arith.constant 0 : i32
      %dma_start3A_342 = arith.constant 256 : i32
      %dma_start3A_343 = tpu.memref_slice %arg6[%dma_start3A_341, %dma_start3A_342] : memref<16x1664xf32, #tpu.memory_space<vmem>> -> memref<16x128xf32, #tpu.memory_space<vmem>>
      %dma_start3A_344 = tpu.memref_slice %arg5[%dma_start3A_340, %mul3A_339] : memref<13x512xi32, #tpu.memory_space<vmem>> -> memref<1x16xi32, #tpu.memory_space<vmem>>
      %dma_start3A_345 = tpu.memref_squeeze %dma_start3A_344 : memref<1x16xi32, #tpu.memory_space<vmem>> -> memref<16xi32, #tpu.memory_space<vmem>>
      %dma_start3A_346 = arith.constant 0 : i32
      %dma_start3A_347 = arith.constant 0 : i32
      %dma_start3A_348 = tpu.memref_slice %arg3[%dma_start3A_346, %dma_start3A_347] : memref<130000x128xf32, #tpu.memory_space<hbm>> -> memref<130000x128xf32, #tpu.memory_space<hbm>>
      tpu.enqueue_indirect_dma source(%dma_start3A_348 : memref<130000x128xf32, #tpu.memory_space<hbm>>) target(%dma_start3A_343 : memref<16x128xf32, #tpu.memory_space<vmem>>) offsets(%dma_start3A_345 : memref<16xi32, #tpu.memory_space<vmem>>) semaphore(%arg9 : memref<!tpu.dma_semaphore, #tpu.memory_space<semaphore_mem>>)
      %mul3A_349 = arith.constant 16 : i32
      %mul3A_350 = arith.muli %min3A_315, %mul3A_349 : i32
      %dma_start3A_351 = arith.constant 3 : i32
      %dma_start3A_352 = arith.constant 0 : i32
      %dma_start3A_353 = arith.constant 384 : i32
      %dma_start3A_354 = tpu.memref_slice %arg6[%dma_start3A_352, %dma_start3A_353] : memref<16x1664xf32, #tpu.memory_space<vmem>> -> memref<16x128xf32, #tpu.memory_space<vmem>>
      %dma_start3A_355 = tpu.memref_slice %arg5[%dma_start3A_351, %mul3A_350] : memref<13x512xi32, #tpu.memory_space<vmem>> -> memref<1x16xi32, #tpu.memory_space<vmem>>
      %dma_start3A_356 = tpu.memref_squeeze %dma_start3A_355 : memref<1x16xi32, #tpu.memory_space<vmem>> -> memref<16xi32, #tpu.memory_space<vmem>>
      %dma_start3A_357 = arith.constant 0 : i32
      %dma_start3A_358 = arith.constant 0 : i32
      %dma_start3A_359 = tpu.memref_slice %arg3[%dma_start3A_357, %dma_start3A_358] : memref<130000x128xf32, #tpu.memory_space<hbm>> -> memref<130000x128xf32, #tpu.memory_space<hbm>>
      tpu.enqueue_indirect_dma source(%dma_start3A_359 : memref<130000x128xf32, #tpu.memory_space<hbm>>) target(%dma_start3A_354 : memref<16x128xf32, #tpu.memory_space<vmem>>) offsets(%dma_start3A_356 : memref<16xi32, #tpu.memory_space<vmem>>) semaphore(%arg9 : memref<!tpu.dma_semaphore, #tpu.memory_space<semaphore_mem>>)
      %mul3A_360 = arith.constant 16 : i32
      %mul3A_361 = arith.muli %min3A_315, %mul3A_360 : i32
      %dma_start3A_362 = arith.constant 4 : i32
      %dma_start3A_363 = arith.constant 0 : i32
      %dma_start3A_364 = arith.constant 512 : i32
      %dma_start3A_365 = tpu.memref_slice %arg6[%dma_start3A_363, %dma_start3A_364] : memref<16x1664xf32, #tpu.memory_space<vmem>> -> memref<16x128xf32, #tpu.memory_space<vmem>>
      %dma_start3A_366 = tpu.memref_slice %arg5[%dma_start3A_362, %mul3A_361] : memref<13x512xi32, #tpu.memory_space<vmem>> -> memref<1x16xi32, #tpu.memory_space<vmem>>
      %dma_start3A_367 = tpu.memref_squeeze %dma_start3A_366 : memref<1x16xi32, #tpu.memory_space<vmem>> -> memref<16xi32, #tpu.memory_space<vmem>>
      %dma_start3A_368 = arith.constant 0 : i32
      %dma_start3A_369 = arith.constant 0 : i32
      %dma_start3A_370 = tpu.memref_slice %arg3[%dma_start3A_368, %dma_start3A_369] : memref<130000x128xf32, #tpu.memory_space<hbm>> -> memref<130000x128xf32, #tpu.memory_space<hbm>>
      tpu.enqueue_indirect_dma source(%dma_start3A_370 : memref<130000x128xf32, #tpu.memory_space<hbm>>) target(%dma_start3A_365 : memref<16x128xf32, #tpu.memory_space<vmem>>) offsets(%dma_start3A_367 : memref<16xi32, #tpu.memory_space<vmem>>) semaphore(%arg9 : memref<!tpu.dma_semaphore, #tpu.memory_space<semaphore_mem>>)
      %mul3A_371 = arith.constant 16 : i32
      %mul3A_372 = arith.muli %min3A_315, %mul3A_371 : i32
      %dma_start3A_373 = arith.constant 5 : i32
      %dma_start3A_374 = arith.constant 0 : i32
      %dma_start3A_375 = arith.constant 640 : i32
      %dma_start3A_376 = tpu.memref_slice %arg6[%dma_start3A_374, %dma_start3A_375] : memref<16x1664xf32, #tpu.memory_space<vmem>> -> memref<16x128xf32, #tpu.memory_space<vmem>>
      %dma_start3A_377 = tpu.memref_slice %arg5[%dma_start3A_373, %mul3A_372] : memref<13x512xi32, #tpu.memory_space<vmem>> -> memref<1x16xi32, #tpu.memory_space<vmem>>
      %dma_start3A_378 = tpu.memref_squeeze %dma_start3A_377 : memref<1x16xi32, #tpu.memory_space<vmem>> -> memref<16xi32, #tpu.memory_space<vmem>>
      %dma_start3A_379 = arith.constant 0 : i32
      %dma_start3A_380 = arith.constant 0 : i32
      %dma_start3A_381 = tpu.memref_slice %arg3[%dma_start3A_379, %dma_start3A_380] : memref<130000x128xf32, #tpu.memory_space<hbm>> -> memref<130000x128xf32, #tpu.memory_space<hbm>>
      tpu.enqueue_indirect_dma source(%dma_start3A_381 : memref<130000x128xf32, #tpu.memory_space<hbm>>) target(%dma_start3A_376 : memref<16x128xf32, #tpu.memory_space<vmem>>) offsets(%dma_start3A_378 : memref<16xi32, #tpu.memory_space<vmem>>) semaphore(%arg9 : memref<!tpu.dma_semaphore, #tpu.memory_space<semaphore_mem>>)
      %mul3A_382 = arith.constant 16 : i32
      %mul3A_383 = arith.muli %min3A_315, %mul3A_382 : i32
      %dma_start3A_384 = arith.constant 6 : i32
      %dma_start3A_385 = arith.constant 0 : i32
      %dma_start3A_386 = arith.constant 768 : i32
      %dma_start3A_387 = tpu.memref_slice %arg6[%dma_start3A_385, %dma_start3A_386] : memref<16x1664xf32, #tpu.memory_space<vmem>> -> memref<16x128xf32, #tpu.memory_space<vmem>>
      %dma_start3A_388 = tpu.memref_slice %arg5[%dma_start3A_384, %mul3A_383] : memref<13x512xi32, #tpu.memory_space<vmem>> -> memref<1x16xi32, #tpu.memory_space<vmem>>
      %dma_start3A_389 = tpu.memref_squeeze %dma_start3A_388 : memref<1x16xi32, #tpu.memory_space<vmem>> -> memref<16xi32, #tpu.memory_space<vmem>>
      %dma_start3A_390 = arith.constant 0 : i32
      %dma_start3A_391 = arith.constant 0 : i32
      %dma_start3A_392 = tpu.memref_slice %arg3[%dma_start3A_390, %dma_start3A_391] : memref<130000x128xf32, #tpu.memory_space<hbm>> -> memref<130000x128xf32, #tpu.memory_space<hbm>>
      tpu.enqueue_indirect_dma source(%dma_start3A_392 : memref<130000x128xf32, #tpu.memory_space<hbm>>) target(%dma_start3A_387 : memref<16x128xf32, #tpu.memory_space<vmem>>) offsets(%dma_start3A_389 : memref<16xi32, #tpu.memory_space<vmem>>) semaphore(%arg9 : memref<!tpu.dma_semaphore, #tpu.memory_space<semaphore_mem>>)
      %mul3A_393 = arith.constant 16 : i32
      %mul3A_394 = arith.muli %min3A_315, %mul3A_393 : i32
      %dma_start3A_395 = arith.constant 7 : i32
      %dma_start3A_396 = arith.constant 0 : i32
      %dma_start3A_397 = arith.constant 896 : i32
      %dma_start3A_398 = tpu.memref_slice %arg6[%dma_start3A_396, %dma_start3A_397] : memref<16x1664xf32, #tpu.memory_space<vmem>> -> memref<16x128xf32, #tpu.memory_space<vmem>>
      %dma_start3A_399 = tpu.memref_slice %arg5[%dma_start3A_395, %mul3A_394] : memref<13x512xi32, #tpu.memory_space<vmem>> -> memref<1x16xi32, #tpu.memory_space<vmem>>
      %dma_start3A_400 = tpu.memref_squeeze %dma_start3A_399 : memref<1x16xi32, #tpu.memory_space<vmem>> -> memref<16xi32, #tpu.memory_space<vmem>>
      %dma_start3A_401 = arith.constant 0 : i32
      %dma_start3A_402 = arith.constant 0 : i32
      %dma_start3A_403 = tpu.memref_slice %arg3[%dma_start3A_401, %dma_start3A_402] : memref<130000x128xf32, #tpu.memory_space<hbm>> -> memref<130000x128xf32, #tpu.memory_space<hbm>>
      tpu.enqueue_indirect_dma source(%dma_start3A_403 : memref<130000x128xf32, #tpu.memory_space<hbm>>) target(%dma_start3A_398 : memref<16x128xf32, #tpu.memory_space<vmem>>) offsets(%dma_start3A_400 : memref<16xi32, #tpu.memory_space<vmem>>) semaphore(%arg9 : memref<!tpu.dma_semaphore, #tpu.memory_space<semaphore_mem>>)
      %mul3A_404 = arith.constant 16 : i32
      %mul3A_405 = arith.muli %min3A_315, %mul3A_404 : i32
      %dma_start3A_406 = arith.constant 8 : i32
      %dma_start3A_407 = arith.constant 0 : i32
      %dma_start3A_408 = arith.constant 1024 : i32
      %dma_start3A_409 = tpu.memref_slice %arg6[%dma_start3A_407, %dma_start3A_408] : memref<16x1664xf32, #tpu.memory_space<vmem>> -> memref<16x128xf32, #tpu.memory_space<vmem>>
      %dma_start3A_410 = tpu.memref_slice %arg5[%dma_start3A_406, %mul3A_405] : memref<13x512xi32, #tpu.memory_space<vmem>> -> memref<1x16xi32, #tpu.memory_space<vmem>>
      %dma_start3A_411 = tpu.memref_squeeze %dma_start3A_410 : memref<1x16xi32, #tpu.memory_space<vmem>> -> memref<16xi32, #tpu.memory_space<vmem>>
      %dma_start3A_412 = arith.constant 0 : i32
      %dma_start3A_413 = arith.constant 0 : i32
      %dma_start3A_414 = tpu.memref_slice %arg3[%dma_start3A_412, %dma_start3A_413] : memref<130000x128xf32, #tpu.memory_space<hbm>> -> memref<130000x128xf32, #tpu.memory_space<hbm>>
      tpu.enqueue_indirect_dma source(%dma_start3A_414 : memref<130000x128xf32, #tpu.memory_space<hbm>>) target(%dma_start3A_409 : memref<16x128xf32, #tpu.memory_space<vmem>>) offsets(%dma_start3A_411 : memref<16xi32, #tpu.memory_space<vmem>>) semaphore(%arg9 : memref<!tpu.dma_semaphore, #tpu.memory_space<semaphore_mem>>)
      %mul3A_415 = arith.constant 16 : i32
      %mul3A_416 = arith.muli %min3A_315, %mul3A_415 : i32
      %dma_start3A_417 = arith.constant 9 : i32
      %dma_start3A_418 = arith.constant 0 : i32
      %dma_start3A_419 = arith.constant 1152 : i32
      %dma_start3A_420 = tpu.memref_slice %arg6[%dma_start3A_418, %dma_start3A_419] : memref<16x1664xf32, #tpu.memory_space<vmem>> -> memref<16x128xf32, #tpu.memory_space<vmem>>
      %dma_start3A_421 = tpu.memref_slice %arg5[%dma_start3A_417, %mul3A_416] : memref<13x512xi32, #tpu.memory_space<vmem>> -> memref<1x16xi32, #tpu.memory_space<vmem>>
      %dma_start3A_422 = tpu.memref_squeeze %dma_start3A_421 : memref<1x16xi32, #tpu.memory_space<vmem>> -> memref<16xi32, #tpu.memory_space<vmem>>
      %dma_start3A_423 = arith.constant 0 : i32
      %dma_start3A_424 = arith.constant 0 : i32
      %dma_start3A_425 = tpu.memref_slice %arg3[%dma_start3A_423, %dma_start3A_424] : memref<130000x128xf32, #tpu.memory_space<hbm>> -> memref<130000x128xf32, #tpu.memory_space<hbm>>
      tpu.enqueue_indirect_dma source(%dma_start3A_425 : memref<130000x128xf32, #tpu.memory_space<hbm>>) target(%dma_start3A_420 : memref<16x128xf32, #tpu.memory_space<vmem>>) offsets(%dma_start3A_422 : memref<16xi32, #tpu.memory_space<vmem>>) semaphore(%arg9 : memref<!tpu.dma_semaphore, #tpu.memory_space<semaphore_mem>>)
      %mul3A_426 = arith.constant 16 : i32
      %mul3A_427 = arith.muli %min3A_315, %mul3A_426 : i32
      %dma_start3A_428 = arith.constant 10 : i32
      %dma_start3A_429 = arith.constant 0 : i32
      %dma_start3A_430 = arith.constant 1280 : i32
      %dma_start3A_431 = tpu.memref_slice %arg6[%dma_start3A_429, %dma_start3A_430] : memref<16x1664xf32, #tpu.memory_space<vmem>> -> memref<16x128xf32, #tpu.memory_space<vmem>>
      %dma_start3A_432 = tpu.memref_slice %arg5[%dma_start3A_428, %mul3A_427] : memref<13x512xi32, #tpu.memory_space<vmem>> -> memref<1x16xi32, #tpu.memory_space<vmem>>
      %dma_start3A_433 = tpu.memref_squeeze %dma_start3A_432 : memref<1x16xi32, #tpu.memory_space<vmem>> -> memref<16xi32, #tpu.memory_space<vmem>>
      %dma_start3A_434 = arith.constant 0 : i32
      %dma_start3A_435 = arith.constant 0 : i32
      %dma_start3A_436 = tpu.memref_slice %arg3[%dma_start3A_434, %dma_start3A_435] : memref<130000x128xf32, #tpu.memory_space<hbm>> -> memref<130000x128xf32, #tpu.memory_space<hbm>>
      tpu.enqueue_indirect_dma source(%dma_start3A_436 : memref<130000x128xf32, #tpu.memory_space<hbm>>) target(%dma_start3A_431 : memref<16x128xf32, #tpu.memory_space<vmem>>) offsets(%dma_start3A_433 : memref<16xi32, #tpu.memory_space<vmem>>) semaphore(%arg9 : memref<!tpu.dma_semaphore, #tpu.memory_space<semaphore_mem>>)
      %mul3A_437 = arith.constant 16 : i32
      %mul3A_438 = arith.muli %min3A_315, %mul3A_437 : i32
      %dma_start3A_439 = arith.constant 11 : i32
      %dma_start3A_440 = arith.constant 0 : i32
      %dma_start3A_441 = arith.constant 1408 : i32
      %dma_start3A_442 = tpu.memref_slice %arg6[%dma_start3A_440, %dma_start3A_441] : memref<16x1664xf32, #tpu.memory_space<vmem>> -> memref<16x128xf32, #tpu.memory_space<vmem>>
      %dma_start3A_443 = tpu.memref_slice %arg5[%dma_start3A_439, %mul3A_438] : memref<13x512xi32, #tpu.memory_space<vmem>> -> memref<1x16xi32, #tpu.memory_space<vmem>>
      %dma_start3A_444 = tpu.memref_squeeze %dma_start3A_443 : memref<1x16xi32, #tpu.memory_space<vmem>> -> memref<16xi32, #tpu.memory_space<vmem>>
      %dma_start3A_445 = arith.constant 0 : i32
      %dma_start3A_446 = arith.constant 0 : i32
      %dma_start3A_447 = tpu.memref_slice %arg3[%dma_start3A_445, %dma_start3A_446] : memref<130000x128xf32, #tpu.memory_space<hbm>> -> memref<130000x128xf32, #tpu.memory_space<hbm>>
      tpu.enqueue_indirect_dma source(%dma_start3A_447 : memref<130000x128xf32, #tpu.memory_space<hbm>>) target(%dma_start3A_442 : memref<16x128xf32, #tpu.memory_space<vmem>>) offsets(%dma_start3A_444 : memref<16xi32, #tpu.memory_space<vmem>>) semaphore(%arg9 : memref<!tpu.dma_semaphore, #tpu.memory_space<semaphore_mem>>)
      %mul3A_448 = arith.constant 16 : i32
      %mul3A_449 = arith.muli %min3A_315, %mul3A_448 : i32
      %dma_start3A_450 = arith.constant 12 : i32
      %dma_start3A_451 = arith.constant 0 : i32
      %dma_start3A_452 = arith.constant 1536 : i32
      %dma_start3A_453 = tpu.memref_slice %arg6[%dma_start3A_451, %dma_start3A_452] : memref<16x1664xf32, #tpu.memory_space<vmem>> -> memref<16x128xf32, #tpu.memory_space<vmem>>
      %dma_start3A_454 = tpu.memref_slice %arg5[%dma_start3A_450, %mul3A_449] : memref<13x512xi32, #tpu.memory_space<vmem>> -> memref<1x16xi32, #tpu.memory_space<vmem>>
      %dma_start3A_455 = tpu.memref_squeeze %dma_start3A_454 : memref<1x16xi32, #tpu.memory_space<vmem>> -> memref<16xi32, #tpu.memory_space<vmem>>
      %dma_start3A_456 = arith.constant 0 : i32
      %dma_start3A_457 = arith.constant 0 : i32
      %dma_start3A_458 = tpu.memref_slice %arg3[%dma_start3A_456, %dma_start3A_457] : memref<130000x128xf32, #tpu.memory_space<hbm>> -> memref<130000x128xf32, #tpu.memory_space<hbm>>
      tpu.enqueue_indirect_dma source(%dma_start3A_458 : memref<130000x128xf32, #tpu.memory_space<hbm>>) target(%dma_start3A_453 : memref<16x128xf32, #tpu.memory_space<vmem>>) offsets(%dma_start3A_455 : memref<16xi32, #tpu.memory_space<vmem>>) semaphore(%arg9 : memref<!tpu.dma_semaphore, #tpu.memory_space<semaphore_mem>>)
      %dma_wait3A_459 = arith.constant 0 : i32
      %dma_wait3A_460 = arith.constant 0 : i32
      %dma_wait3A_461 = tpu.memref_slice %arg4[%dma_wait3A_459, %dma_wait3A_460] : memref<16384x1664xf32, #tpu.memory_space<hbm>> -> memref<16x1664xf32, #tpu.memory_space<hbm>>
      %dma_wait3A_462 = arith.constant 0 : i32
      %dma_wait3A_463 = arith.constant 0 : i32
      %dma_wait3A_464 = tpu.memref_slice %arg4[%dma_wait3A_462, %dma_wait3A_463] : memref<16384x1664xf32, #tpu.memory_space<hbm>> -> memref<16x1664xf32, #tpu.memory_space<hbm>>
      tpu.wait_dma2 semaphore(%arg10 : memref<!tpu.dma_semaphore, #tpu.memory_space<semaphore_mem>>) src(%dma_wait3A_464 : memref<16x1664xf32, #tpu.memory_space<hbm>>) dst(%arg7 : memref<16x1664xf32, #tpu.memory_space<vmem>>)
      %add3A_465 = arith.constant 1 : i32
      %add3A_466 = arith.addi %mul3A_158, %add3A_465 : i32
      %mul3A_467 = arith.constant 16 : i32
      %mul3A_468 = arith.muli %add3A_466, %mul3A_467 : i32
      %add3A_469 = arith.addi %mul3A_2, %mul3A_468 : i32
      "tpu.region"() ({
        %run_scoped3A = tpu.sem_alloc : memref<!tpu.dma_semaphore, #tpu.memory_space<semaphore_mem>>
        %dma_start3A_470 = arith.constant 0 : i32
        %dma_start3A_471 = tpu.memref_slice %arg4[%add3A_469, %dma_start3A_470] : memref<16384x1664xf32, #tpu.memory_space<hbm>> -> memref<16x1664xf32, #tpu.memory_space<hbm>>
        %dma_start3A_472 = arith.constant 0 : i32
        %dma_start3A_473 = tpu.memref_slice %arg4[%add3A_469, %dma_start3A_472] : memref<16384x1664xf32, #tpu.memory_space<hbm>> -> memref<16x1664xf32, #tpu.memory_space<hbm>>
        tpu.enqueue_dma source(%arg7 : memref<16x1664xf32, #tpu.memory_space<vmem>>) target(%dma_start3A_473 : memref<16x1664xf32, #tpu.memory_space<hbm>>) target_semaphore(%run_scoped3A : memref<!tpu.dma_semaphore, #tpu.memory_space<semaphore_mem>>)
        %dma_wait3A_474 = arith.constant 0 : i32
        %dma_wait3A_475 = tpu.memref_slice %arg4[%add3A_469, %dma_wait3A_474] : memref<16384x1664xf32, #tpu.memory_space<hbm>> -> memref<16x1664xf32, #tpu.memory_space<hbm>>
        %dma_wait3A_476 = arith.constant 0 : i32
        %dma_wait3A_477 = tpu.memref_slice %arg4[%add3A_469, %dma_wait3A_476] : memref<16384x1664xf32, #tpu.memory_space<hbm>> -> memref<16x1664xf32, #tpu.memory_space<hbm>>
        tpu.wait_dma2 semaphore(%run_scoped3A : memref<!tpu.dma_semaphore, #tpu.memory_space<semaphore_mem>>) src(%arg7 : memref<16x1664xf32, #tpu.memory_space<vmem>>) dst(%dma_wait3A_477 : memref<16x1664xf32, #tpu.memory_space<hbm>>)
        tpu.yield
      }) : () -> ()
    }
    %scan3A_149 = arith.constant 16 : i32
    %dma_wait3A_150 = arith.constant 0 : i32
    %dma_wait3A_151 = arith.constant 0 : i32
    %dma_wait3A_152 = tpu.memref_slice %arg4[%dma_wait3A_150, %dma_wait3A_151] : memref<16384x1664xf32, #tpu.memory_space<hbm>> -> memref<16x1664xf32, #tpu.memory_space<hbm>>
    %dma_wait3A_153 = arith.constant 0 : i32
    %dma_wait3A_154 = arith.constant 0 : i32
    %dma_wait3A_155 = tpu.memref_slice %arg4[%dma_wait3A_153, %dma_wait3A_154] : memref<16384x1664xf32, #tpu.memory_space<hbm>> -> memref<16x1664xf32, #tpu.memory_space<hbm>>
    tpu.wait_dma2 semaphore(%arg9 : memref<!tpu.dma_semaphore, #tpu.memory_space<semaphore_mem>>) src(%dma_wait3A_155 : memref<16x1664xf32, #tpu.memory_space<hbm>>) dst(%arg6 : memref<16x1664xf32, #tpu.memory_space<vmem>>)
    return
  }
}

module attributes {stable_mosaic.version = 14 : i64} {
  func.func @body(%arg0: i32, %arg1: memref<2x100x64xf32, #tpu.memory_space<vmem>>, %arg2: memref<1x2x16384xi32, #tpu.memory_space<vmem>>, %arg3: memref<10000x128xf32, #tpu.memory_space<vmem>>, %arg4: memref<1x1x16384xi32, #tpu.memory_space<vmem>>) attributes {dimension_semantics = [#tpu.dimension_semantics<arbitrary>], iteration_bounds = array<i64: 13>, scalar_prefetch = 0 : i64, scratch_operands = 0 : i64, tpu.core_type = #tpu.core_type<tc>, window_params = [{transform_indices = @transform_0, window_bounds = array<i64: 2, 100, 64>}, {transform_indices = @transform_1, window_bounds = array<i64: 1, 2, 16384>}, {transform_indices = @transform_2, window_bounds = array<i64: 10000, 128>}, {transform_indices = @transform_3, window_bounds = array<i64: 1, 1, 16384>}]} {
    %get3A = arith.constant 0 : index
    %get3A_0 = arith.constant 0 : index
    %get3A_1 = arith.constant 0 : index
    %get3A_2 = vector.load %arg1[%get3A, %get3A_0, %get3A_1] : memref<2x100x64xf32, #tpu.memory_space<vmem>>, vector<1x100x64xf32>
    %get3A_3 = vector.shape_cast %get3A_2 : vector<1x100x64xf32> to vector<100x64xf32>
    %get3A_4 = arith.constant 1 : index
    %get3A_5 = arith.constant 0 : index
    %get3A_6 = arith.constant 0 : index
    %get3A_7 = vector.load %arg1[%get3A_4, %get3A_5, %get3A_6] : memref<2x100x64xf32, #tpu.memory_space<vmem>>, vector<1x100x64xf32>
    %get3A_8 = vector.shape_cast %get3A_7 : vector<1x100x64xf32> to vector<100x64xf32>
    %broadcast_in_dim3A = vector.shape_cast %get3A_3 : vector<100x64xf32> to vector<100x1x64xf32>
    %broadcast_in_dim3A_9 = vector.shape_cast %broadcast_in_dim3A : vector<100x1x64xf32> to vector<100x1x64xf32>
    %broadcast_in_dim3A_10 = vector.broadcast %broadcast_in_dim3A_9 : vector<100x1x64xf32> to vector<100x100x64xf32>
    %reshape3A = vector.shape_cast %broadcast_in_dim3A_10 : vector<100x100x64xf32> to vector<10000x64xf32>
    %broadcast_in_dim3A_11 = vector.shape_cast %get3A_8 : vector<100x64xf32> to vector<1x100x64xf32>
    %broadcast_in_dim3A_12 = vector.shape_cast %broadcast_in_dim3A_11 : vector<1x100x64xf32> to vector<1x100x64xf32>
    %broadcast_in_dim3A_13 = vector.broadcast %broadcast_in_dim3A_12 : vector<1x100x64xf32> to vector<100x100x64xf32>
    %reshape3A_14 = vector.shape_cast %broadcast_in_dim3A_13 : vector<100x100x64xf32> to vector<10000x64xf32>
    %concatenate3A = tpu.concatenate %reshape3A, %reshape3A_14 in 1 : vector<10000x64xf32>, vector<10000x64xf32> -> vector<10000x128xf32>
    %swap3A = arith.constant 0 : index
    %swap3A_15 = arith.constant 0 : index
    %swap3A_16 = vector.load %arg3[%swap3A, %swap3A_15] : memref<10000x128xf32, #tpu.memory_space<vmem>>, vector<10000x128xf32>
    tpu.vector_store %arg3[%swap3A, %swap3A_15], %concatenate3A {strides = array<i32>} : memref<10000x128xf32, #tpu.memory_space<vmem>>, vector<10000x128xf32>,
    %get3A_17 = arith.constant 0 : index
    %get3A_18 = arith.constant 0 : index
    %get3A_19 = arith.constant 0 : index
    %get3A_20 = vector.load %arg2[%get3A_17, %get3A_18, %get3A_19] : memref<1x2x16384xi32, #tpu.memory_space<vmem>>, vector<1x1x16384xi32>
    %get3A_21 = vector.shape_cast %get3A_20 : vector<1x1x16384xi32> to vector<16384xi32>
    %mul3A = arith.constant 100 : i32
    %mul3A_22 = vector.broadcast %mul3A : i32 to vector<16384xi32>
    %mul3A_23 = arith.muli %get3A_21, %mul3A_22 : vector<16384xi32>
    %get3A_24 = arith.constant 0 : index
    %get3A_25 = arith.constant 1 : index
    %get3A_26 = arith.constant 0 : index
    %get3A_27 = vector.load %arg2[%get3A_24, %get3A_25, %get3A_26] : memref<1x2x16384xi32, #tpu.memory_space<vmem>>, vector<1x1x16384xi32>
    %get3A_28 = vector.shape_cast %get3A_27 : vector<1x1x16384xi32> to vector<16384xi32>
    %add3A = arith.addi %mul3A_23, %get3A_28 : vector<16384xi32>
    %mul3A_29 = arith.constant 10000 : i32
    %mul3A_30 = arith.muli %arg0, %mul3A_29 : i32
    %add3A_31 = vector.broadcast %mul3A_30 : i32 to vector<16384xi32>
    %add3A_32 = arith.addi %add3A, %add3A_31 : vector<16384xi32>
    %broadcast_in_dim3A_33 = vector.shape_cast %add3A_32 : vector<16384xi32> to vector<1x1x16384xi32>
    %swap3A_34 = arith.constant 0 : index
    %swap3A_35 = arith.constant 0 : index
    %swap3A_36 = arith.constant 0 : index
    %swap3A_37 = vector.load %arg4[%swap3A_34, %swap3A_35, %swap3A_36] : memref<1x1x16384xi32, #tpu.memory_space<vmem>>, vector<1x1x16384xi32>
    tpu.vector_store %arg4[%swap3A_34, %swap3A_35, %swap3A_36], %broadcast_in_dim3A_33 {strides = array<i32>} : memref<1x1x16384xi32, #tpu.memory_space<vmem>>, vector<1x1x16384xi32>,
    return
  }
  func.func @transform_0(%arg0: i32) -> (i32, i32, i32) {
    %c0_i32 = arith.constant 0 : i32
    %c0_i32_0 = arith.constant 0 : i32
    %c0_i32_1 = arith.constant 0 : i32
    return %arg0, %c0_i32, %c0_i32_0 : i32, i32, i32
  }
  func.func @transform_1(%arg0: i32) -> (i32, i32, i32) {
    %c0_i32 = arith.constant 0 : i32
    %c0_i32_0 = arith.constant 0 : i32
    %c0_i32_1 = arith.constant 0 : i32
    return %arg0, %c0_i32, %c0_i32_0 : i32, i32, i32
  }
  func.func @transform_2(%arg0: i32) -> (i32, i32) {
    %c0_i32 = arith.constant 0 : i32
    %c0_i32_0 = arith.constant 0 : i32
    return %arg0, %c0_i32 : i32, i32
  }
  func.func @transform_3(%arg0: i32) -> (i32, i32, i32) {
    %c0_i32 = arith.constant 0 : i32
    %c0_i32_0 = arith.constant 0 : i32
    %c0_i32_1 = arith.constant 0 : i32
    return %arg0, %c0_i32, %c0_i32_0 : i32, i32, i32
  }
}

</mosaic_0001>

<sc_bundles>
// kernel: kernel.4.cloned.1.call-start
scs
__scs_entry_jumppad:
0x0: {  	(pc) =	sbr.rel $0x88, $3  }
0x1: {  	(tag) =	ssettag $0x0;
	lr =	simm.s32 $0x1  }
0x2: {  	[smem:$0x3F9F] =	sst lr;
	_ =	strace $0xD0000000  }
0x3: {  	_ = 	snop  }
0x4: {  	_ = 	snop  }
0x5: {  	_ = 	snop  }
0x6: {  	_ = 	snop  }
0x7: {  	_ = 	snop  }
__scs_overlays_trampoline_lowered:
0x8: {  	[smem:$0x3FAE] =	sst s0  }
0x9: {  	[smem:$0x3FAF] =	sst s1  }
0xa: {  	[smem:$0x3FB0] =	sst s2  }
0xb: {  	[smem:$0x3FB1] =	sst s3  }
0xc: {  	[smem:$0x3FB2] =	sst s4  }
0xd: {  	[smem:$0x3FB3] =	sst s5  }
0xe: {  	[smem:$0x3FB4] =	sst s6  }
0xf: {  	[smem:$0x3FB5] =	sst s7  }
0x10: {  	[smem:$0x3FB6] =	sst s8  }
0x11: {  	[smem:$0x3FB7] =	sst s9;
	s0 =	simm.s32 @!p0 $0x0  }
0x12: {  	s1 =	sld [smem:$0x3F9D];
	s0 =	simm.s32 @p0 $0x1  }
0x13: {  	[smem:$0x3FB8] =	sst s0;
	s0 =	simm.s32 @!p1 $0x0  }
0x14: {  	s2 =	sld [smem:$0x3F9C];
	s0 =	simm.s32 @p1 $0x1  }
0x15: {  	[smem:$0x3FB9] =	sst s0;
	s0 =	simm.s32 @!p2 $0x0  }
0x16: {  	s3 =	sld [smem:$0x3FDB];
	s0 =	simm.s32 @p2 $0x1  }
0x17: {  	s4 =	simm.s32 $0x1BF5;
	[smem:$0x3FBB] =	sst s0  }
0x18: {  	s0 =	sld [smem:$0x3F9E];
	_ =	swait.ge [sflag:s4], $0x0  }
0x19: {  	s7 =	sld [smem:$0x3F9F]  }
0x1a: {  	s8 =	sadd.s32 $0xFFFFE003, lr  }
0x1b: {  	s9 =	sadd.s32 $0xFFFFFEF7, lr;
	s5 =	simm.s32 $0xFFFFFFFF;
	p2 =	slt.u32 s8, $0xFFFFF086  }
0x1c: {  	p1 =	slt.u32 s9, $0xF7A;
	s5 =	simm.s32 @!p2 $0x0  }
0x1d: {  	s5 =	simm.s32 @p1 $0x1;
	p0 =	seq.s32 s7, s2  }
0x1e: {  	s7 =	smul.u32 @!p0 $0xF7A, s2;
	p2 =	seq.s32 @!p0 s5, $0x0  }
0x1f: {  	s9 =	smul.u32 $0xF7A, s1;
	s8 =	simm.s32 @!p0 $0x1BF5;
	p2 =	por !p2, p0  }
0x20: {  	[sflag:s8] =	ssyncset.s32 @!p0 $0xFFFFF086;
	s6 =	sadd.s32 @!p0 s3, s7;
	s7 =	simm.s32 @!p0 $0x108  }
0x21: {  	s3 =	sadd.s32 s3, s9;
	s6 =	sadd.s32 @!p0 $0x88, s6;
	s7 =	simm.s32 @p2 $0x1082  }
0x22: {  	[simem:s7], [sflag:s8] =	dma.local @!p0 [hbm:s6], $0xF7A  }
0x23: {  	s9 =	sor.u32 $0xD0000000, s2;
	s6 =	simm.s32 $0x108;
	_ =	swait.ge @!p0 [sflag:s8], $0x0  }
0x24: {  	s3 =	sadd.s32 $0x88, s3;
	s6 =	simm.s32 @!p1 $0x1082;
	[sflag:s4] =	ssyncset.s32 $0xFFFFF086  }
0x25: {  	[simem:s6], [sflag:s4] =	dma.local [hbm:s3], $0xF7A  }
0x26: {  	[smem:$0x3F9F] =	sst s1;
	(tag) =	ssettag s2;
	_ =	strace s9  }
0x27: {  	s1 =	sld [smem:$0x3FAF]  }
0x28: {  	s2 =	sld [smem:$0x3FB0]  }
0x29: {  	s4 =	sld [smem:$0x3FB2]  }
0x2a: {  	p0 =	seq.s32 s5, $0x0;
	s5 =	sld [smem:$0x3FB3]  }
0x2b: {  	s6 =	sld [smem:$0x3FB4]  }
0x2c: {  	s7 =	sld [smem:$0x3FB5]  }
0x2d: {  	s3 =	simm.s32 $0x108;
	s8 =	sld [smem:$0x3FB6]  }
0x2e: {  	s3 =	simm.s32 @!p0 $0x1082;
	s9 =	sld [smem:$0x3FB7]  }
0x2f: {  	lr =	sadd.s32 s0, s3;
	s0 =	sld [smem:$0x3FAE]  }
0x30: {  	s3 =	sld [smem:$0x3FB1]  }
0x31: {  	[smem:$0x3FBA] =	sst s10  }
0x32: {  	s10 =	sld [smem:$0x3FB8];
	_ =	sdelay $0x3  }
0x33: {  	p0 =	seq.s32 s10, $0x1;
	s10 =	sld [smem:$0x3FBA];
	_ =	sdelay $0x3  }
0x34: {  	[smem:$0x3FBA] =	sst s10  }
0x35: {  	s10 =	sld [smem:$0x3FB9];
	_ =	sdelay $0x3  }
0x36: {  	p1 =	seq.s32 s10, $0x1;
	s10 =	sld [smem:$0x3FBA];
	_ =	sdelay $0x3  }
0x37: {  	[smem:$0x3FBA] =	sst s10  }
0x38: {  	s10 =	sld [smem:$0x3FBB]  }
0x39: {  	_ = 	snop;
	(pc) =	sbr.ind lr, $3  }
0x3a: {  	_ = 	snop  }
0x3b: {  	_ = 	snop  }
0x3c: {  	p2 =	seq.s32 s10, $0x1;
	s10 =	sld [smem:$0x3FBA]  }
0x3d: {  	_ =	shalt  }
0x3e: {  	_ =	shalt  }
0x3f: {  	_ =	shalt  }
0x40: {  	_ =	shalt  }
0x41: {  	_ =	shalt  }
0x42: {  	_ =	shalt  }
0x43: {  	_ =	shalt  }
0x44: {  	_ =	shalt  }
0x45: {  	_ =	shalt  }
0x46: {  	_ =	shalt  }
0x47: {  	_ =	shalt  }
0x48: {  	_ =	shalt  }
0x49: {  	_ =	shalt  }
0x4a: {  	_ =	shalt  }
0x4b: {  	_ =	shalt  }
0x4c: {  	_ =	shalt  }
0x4d: {  	_ =	shalt  }
0x4e: {  	_ =	shalt  }
0x4f: {  	_ =	shalt  }
0x50: {  	_ =	shalt  }
0x51: {  	_ =	shalt  }
0x52: {  	_ =	shalt  }
0x53: {  	_ =	shalt  }
0x54: {  	_ =	shalt  }
0x55: {  	_ =	shalt  }
0x56: {  	_ =	shalt  }
0x57: {  	_ =	shalt  }
0x58: {  	_ =	shalt  }
0x59: {  	_ =	shalt  }
0x5a: {  	_ =	shalt  }
0x5b: {  	_ =	shalt  }
0x5c: {  	_ =	shalt  }
0x5d: {  	_ =	shalt  }
0x5e: {  	_ =	shalt  }
0x5f: {  	_ =	shalt  }
0x60: {  	_ =	shalt  }
0x61: {  	_ =	shalt  }
0x62: {  	_ =	shalt  }
0x63: {  	_ =	shalt  }
0x64: {  	_ =	shalt  }
0x65: {  	_ =	shalt  }
0x66: {  	_ =	shalt  }
0x67: {  	_ =	shalt  }
0x68: {  	_ =	shalt  }
0x69: {  	_ =	shalt  }
0x6a: {  	_ =	shalt  }
0x6b: {  	_ =	shalt  }
0x6c: {  	_ =	shalt  }
0x6d: {  	_ =	shalt  }
0x6e: {  	_ =	shalt  }
0x6f: {  	_ =	shalt  }
0x70: {  	_ =	shalt  }
0x71: {  	_ =	shalt  }
0x72: {  	_ =	shalt  }
0x73: {  	_ =	shalt  }
0x74: {  	_ =	shalt  }
0x75: {  	_ =	shalt  }
0x76: {  	_ =	shalt  }
0x77: {  	_ =	shalt  }
0x78: {  	_ =	shalt  }
0x79: {  	_ =	shalt  }
0x7a: {  	_ =	shalt  }
0x7b: {  	_ =	shalt  }
0x7c: {  	_ =	shalt  }
0x7d: {  	_ =	shalt  }
0x7e: {  	_ =	shalt  }
0x7f: {  	_ =	shalt  }
0x80: {  	_ =	shalt  }
0x81: {  	_ =	shalt  }
0x82: {  	_ =	shalt  }
0x83: {  	_ =	shalt  }
0x84: {  	_ =	shalt  }
0x85: {  	_ =	shalt  }
0x86: {  	_ =	shalt  }
0x87: {  	_ =	shalt  }
.Lfunc_end0:
.L_simem_size_0:
called_computation_lowered:
.L_overlay_start_0:
0x88: {  	s2 =	sld [smem:$0x3FD9]  }
0x89: {  	s3 =	sld [smem:$0x3FFE];
	_ =	sdelay $0x1  }
0x8a: {  	s1 =	srdreg.scid  }
0x8b: {  	s0 =	sand.u32 $0x1, s1  }
0x8c: {  	s17 =	sshll.u32 s0, $0xA;
	s2 =	sadd.s32 s3, s2  }
0x8d: {  	s2 =	sadd.s32 s2, s17  }
0x8e: {  	[smem:$0x3FC6] =	sst s2  }
0x8f: {  	_ = 	snop  }
0x90: {  	s2 =	sld [smem:$0x3FD0];
	(tm) =	ssettm $0x1  }
0x91: {  	s18 =	sld [smem:$0x3FFB];
	_ =	sdelay $0x3  }
0x92: {  	_ =	strace s18  }
0x93: {  	s3 =	sld [smem:$0x3FFC];
	_ =	sdelay $0x3  }
0x94: {  	_ =	strace s3  }
0x95: {  	s3 =	sld [smem:$0x3FFD];
	_ =	sdelay $0x3  }
0x96: {  	_ =	strace s3  }
0x97: {  	_ =	strace $0x8FFFFFFF  }
0x98: {  	s19 =	sld [smem:$0x3FDB];
	_ =	sdelay $0x1  }
0x99: {  	s4 =	simm.s32 $_scs_section_size  }
0x9a: {  	s5 =	simm.s32 $_size__tile_overlayer_lowered;
	s6 =	simm.s32 $_tile_overlayer_lowered  }
0x9b: {  	s22 =	simm.s32 $0x1BFF;
	s21 =	sshll.u32 s6, $0x1;
	s3 =	sadd.s32 s4, s19  }
0x9c: {  	s7 =	simm.s32 $0x0;
	s20 =	sshll.u32 s5, $0x1;
	s5 =	sadd.s32 s21, s3  }
0x9d: {  	[timem:s7], [sflag:s22] =	dma.local [hbm:s5], s20  }
0x9e: {  	_ =	swait.ge [sflag:s22], s20  }
0x9f: {  	s4 =	ssub.s32 $0x0, s20;
	[sflag:s22] =	ssyncset.done $0x0  }
0xa0: {  	[sflag:s22] =	ssyncadd.s32 s4;
	_ =	sdelay $0x1  }
0xa1: {  	s23 =	simm.s32 $0x1B8B  }
0xa2: {  	_ =	swait.ge [sflag:s23], $0x1  }
0xa3: {  	[sflag:s23] =	ssyncset.done $0x0  }
0xa4: {  	s25 =	simm.s32 $0x1B8E;
	s24 =	sld [smem:$0x3FFE];
	[sflag:s23] =	ssyncadd.s32 $0xFFFFFFFF  }
0xa5: {  	s26 =	simm.s32 $execute0_lowered;
	[smem:$0x3FD2] =	sst s25  }
0xa6: {  	s5 =	sshll.u32 s26, $0x1;
	_ =	strace $0x80000046;
	[dreg:$0x1] =	wrdreg $0xFFFFFFFF  }
0xa7: {  	s28 =	simm.s32 $_size_execute0_lowered;
	s3 =	sadd.s32 s3, s5;
	[dreg:$0x0] =	wrdreg $0x0  }
0xa8: {  	s5 =	sshll.u32 s28, $0x1;
	[dreg:$0x2] =	wrdreg s3  }
0xa9: {  	[dreg:$0x3] =	wrdreg s5  }
0xaa: {  	[dreg:$0x4] =	wrdreg $0xC0  }
0xab: {  	_ =	task [dreg:s7], $0x5FFFF  }
0xac: {  	[dreg:$0x1] =	wrdreg $0xFFFFFFFF  }
0xad: {  	[dreg:$0x0] =	wrdreg $0x60  }
0xae: {  	[dreg:$0x2] =	wrdreg s24  }
0xaf: {  	[dreg:$0x3] =	wrdreg s2  }
0xb0: {  	[dreg:$0x4] =	wrdreg $0x9  }
0xb1: {  	_ =	task.clear_ibuf [dreg:s7], $0x5FFFF;
	_ =	strace $0x90000046  }
0xb2: {  	s29 =	simm.s32 $0x9;
	_ =	strace $0x80000048  }
0xb3: {  	_ =	swait.ge [sflag:s29], $0x1  }
0xb4: {  	[sflag:s29] =	ssyncadd.s32 $0xFFFFFFFF  }
0xb5: {  	_ =	strace $0x90000048  }
0xb6: {  	_ =	sfence  }
0xb7: {  	s30 =	sld [smem:$0x0];
	_ =	sdelay $0x2  }
0xb8: {  	s31 =	sshll.u32 s1, $0xD;
	s1 =	sshrl.u32 s1, $0x2  }
0xb9: {  	s3 =	sand.u32 $0x4000, s31;
	s1 =	sadd.s32 s1, s30  }
0xba: {  	s0 =	sor.u32 s3, s0;
	s1 =	sshll.u32 s1, $0x11  }
0xbb: {  	s0 =	sor.u32 s1, s0  }
0xbc: {  	s0 =	sadd.s32 $0x8F2B, s0  }
0xbd: {  	[sflag:s0] =	ssyncadd.remote.s32 $0x1  }
0xbe: {  	_ =	sfence.sel $0xFFFF  }
0xbf: {  	[dreg:$0x0] =	wrdreg $0xFFFFFFFF;
	(pc) =	sbr.abs _section_cstart, $3  }
0xc0: {  	[dreg:$0x1] =	wrdreg $0xFFFFFFFF  }
0xc1: {  	_ =	task.clear_ibuf [dreg:s7], $0x2FFFF;
	_ =	strace $0x9FFFFFFF  }
0xc2: {  	(tm) =	ssettm $0x7FFFFFFF  }
0xc3: {  	_ =	shalt  }
tec
execute0_lowered:
.L_overlay_start_1:
0x0: {  	(tag) =	ssettag $0x1  }
0x1: {  	s1 =	rddreg [dreg:$0x0];
	s2 =	stileid.u32  }
0x2: {  	s4 =	rddreg [dreg:$0x1];
	s3 =	sshll.u32 s2, $0xA;
	s2 =	simm.s32 $0x0  }
0x3: {  	s8 =	simm.s32 $0xBC00;
	[smem:$0x7FF] =	sst s2  }
0x4: {  	s11 =	simm.s32 $0x8C00;
	_ =	strace $0x80000047;
	[dreg:$0x3] =	wrdreg s8  }
0x5: {  	s13 =	simm.s32 $0xC000;
	[dreg:$0x4] =	wrdreg s11  }
0x6: {  	s14 =	simm.s32 $0x9000;
	[dreg:$0x5] =	wrdreg s13  }
0x7: {  	s16 =	simm.s32 $0xC400;
	[dreg:$0x6] =	wrdreg s14  }
0x8: {  	s18 =	simm.s32 $0x9400;
	[dreg:$0x7] =	wrdreg s16  }
0x9: {  	s0 =	srdreg.scid;
	s20 =	simm.s32 $0xC800;
	[dreg:$0x8] =	wrdreg s18  }
0xa: {  	s22 =	simm.s32 $0x9800;
	s24 =	simm.s32 $0xCC00;
	[dreg:$0x9] =	wrdreg s20  }
0xb: {  	s26 =	simm.s32 $0x9C00;
	s9 =	simm.s32 $0xD000;
	[dreg:$0xa] =	wrdreg s22  }
0xc: {  	s28 =	simm.s32 $0x4400;
	s29 =	simm.s32 $0x7800;
	[dreg:$0xb] =	wrdreg s24  }
0xd: {  	s30 =	simm.s32 $0x4800;
	s31 =	simm.s32 $0x7C00;
	[dreg:$0xc] =	wrdreg s26  }
0xe: {  	s0 =	sand.u32 $0x1, s0;
	[dreg:$0xd] =	wrdreg s9;
	s11 =	simm.s32 $0xA000  }
0xf: {  	s5 =	sshll.u32 s0, $0x9;
	s13 =	simm.s32 $0xA400;
	[dreg:$0xe] =	wrdreg s11  }
0x10: {  	s0 =	ssub.s32 $0x2, s0;
	s14 =	simm.s32 $0xD800;
	[dreg:$0x10] =	wrdreg s13  }
0x11: {  	s5 =	sor.u32 s5, s3;
	s18 =	simm.s32 $0xAC00;
	[dreg:$0x11] =	wrdreg s14  }
0x12: {  	s3 =	sadd.s32 $0xA00, s1;
	s20 =	simm.s32 $0xB000;
	[dreg:$0x14] =	wrdreg s18  }
0x13: {  	s10 =	sshrl.u32 s0, $0x1;
	s22 =	simm.s32 $0xB400;
	[dreg:$0x16] =	wrdreg s20  }
0x14: {  	s24 =	simm.s32 $0xE800;
	s26 =	simm.s32 $0xEC00;
	[dreg:$0x18] =	wrdreg s22  }
0x15: {  	s9 =	simm.s32 $0x6800;
	s6 =	sshrl.u32 s5, $0x3;
	[dreg:$0x19] =	wrdreg s24  }
0x16: {  	s0 =	ssub.s32 s0, s10;
	s5 =	sor.u32 $0x10, s5;
	[dreg:$0x1b] =	wrdreg s26  }
0x17: {  	s18 =	simm.s32 $0x2400;
	s7 =	sadd.s32 s6, s1;
	s0 =	smax.u32 s0, $0x1  }
0x18: {  	s20 =	simm.s32 $0x5800;
	s12 =	sadd.s32 $0x1FC800, s7;
	[dreg:$0x1d] =	wrdreg s0  }
0x19: {  	s22 =	simm.s32 $0x5C00;
	s15 =	sadd.s32 $0x1FC810, s7;
	[dreg:$0x1c] =	wrdreg s12  }
0x1a: {  	s11 =	simm.s32 $0x6C00;
	s17 =	sadd.s32 $0x1FC820, s7;
	[dreg:$0x1e] =	wrdreg s15  }
0x1b: {  	s13 =	simm.s32 $0x7000;
	s19 =	sadd.s32 $0x1FC830, s7;
	[dreg:$0x1f] =	wrdreg s17  }
0x1c: {  	s14 =	simm.s32 $0x8800;
	s21 =	sadd.s32 $0x200800, s7;
	[smem:$0x7F7] =	sst s19  }
0x1d: {  	s24 =	simm.s32 $0x2;
	s23 =	sadd.s32 $0x200810, s7;
	[smem:$0x7F8] =	sst s21  }
0x1e: {  	s26 =	simm.s32 $0x3;
	s25 =	sadd.s32 $0x200820, s7;
	[smem:$0x7F9] =	sst s23  }
0x1f: {  	s10 =	smul.u32 $0x680, s6;
	s8 =	sadd.s32 $0x200830, s7;
	[smem:$0x7FA] =	sst s25  }
0x20: {  	s5 =	sshrl.u32 s5, $0x3;
	[smem:$0x7FB] =	sst s8;
	s12 =	simm.s32 $0xD400  }
0x21: {  	s6 =	simm.s32 $0x3000;
	s1 =	sadd.s32 s10, s4;
	[dreg:$0xf] =	wrdreg s12  }
0x22: {  	s5 =	smul.u32 $0x680, s5;
	s15 =	simm.s32 $0xA800;
	[smem:$0x7FC] =	sst s1  }
0x23: {  	s7 =	simm.s32 $0x6400;
	s17 =	simm.s32 $0xDC00;
	[dreg:$0x12] =	wrdreg s15  }
0x24: {  	s23 =	simm.s32 $0x4000;
	s19 =	simm.s32 $0xE000;
	[dreg:$0x13] =	wrdreg s17  }
0x25: {  	s21 =	simm.s32 $0xE400;
	s25 =	simm.s32 $0xB800;
	[dreg:$0x15] =	wrdreg s19  }
0x26: {  	s8 =	simm.s32 $0x3400;
	s10 =	simm.s32 $0x3800;
	[dreg:$0x17] =	wrdreg s21  }
0x27: {  	s16 =	sadd.s32 s5, s4;
	[dreg:$0x1a] =	wrdreg s25;
	s25 =	simm.s32 $0x2000  }
0x28: {  	v2 =	vlaneseq.u32;
	s19 =	simm.s32 $0x5400;
	s21 =	simm.s32 $0x2800;
	s4 =	simm.s32 $0x2C00  }
0x29: {  	vm0 =	vmmov $0xff;
	v1 =	vshrl.u32 v2, $0x3;
	s5 =	simm.s32 $0x6000;
	s12 =	simm.s32 $0x3C00;
	s15 =	simm.s32 $0x4  }
0x2a: {  	v0 =	vand.u32 $0x7, v2;
	v2 =	vor.u32 $0x8, v2;
	v1 =	vmul.u32 $0x8, v1;
	s1 =	simm.s32 $0x0;
	[smem:$0x7FD] =	sst s16;
	s16 =	simm.s32 $0x7400  }
.LBB2_1:
0x2b: {  	[smem:$0x7F6] =	sst s1  }
0x2c: {  	s0 =	rddreg [dreg:$0x1c];
	s1 =	simm.s32 $0x80  }
0x2d: {  	[tilespmem:s2], [sflag:$0x1] =	stream.strided.gather [hbm4b:s0+s1], $0x400, s23, s1, $0x38;
	[tilespmem:$0xF000] =	vst v63  }
0x2e: {  	s17 =	simm.s32 $0x400;
	s0 =	rddreg [dreg:$0x1e]  }
0x2f: {  	[tilespmem:s17], [sflag:$0x1] =	stream.strided.gather [hbm4b:s0+s1], $0x400, s23, s1, $0x38;
	[tilespmem:$0xF000] =	vst v63  }
0x30: {  	s0 =	rddreg [dreg:$0x1f];
	s17 =	simm.s32 $0x800  }
0x31: {  	[tilespmem:s17], [sflag:$0x1] =	stream.strided.gather [hbm4b:s0+s1], $0x400, s23, s1, $0x38;
	[tilespmem:$0xF000] =	vst v63  }
0x32: {  	s0 =	sld [smem:$0x7F7];
	_ =	sdelay $0x1  }
0x33: {  	s17 =	simm.s32 $0xC00  }
0x34: {  	[tilespmem:s17], [sflag:$0x1] =	stream.strided.gather [hbm4b:s0+s1], $0x400, s23, s1, $0x38;
	[tilespmem:$0xF000] =	vst v63  }
0x35: {  	s0 =	sld [smem:$0x7F8];
	_ =	sdelay $0x1  }
0x36: {  	s17 =	simm.s32 $0x1000  }
0x37: {  	[tilespmem:s17], [sflag:$0x1] =	stream.strided.gather [hbm4b:s0+s1], $0x280, s23, s1, $0x38;
	[tilespmem:$0xF000] =	vst v63  }
0x38: {  	s0 =	sld [smem:$0x7F9];
	_ =	sdelay $0x1  }
0x39: {  	s17 =	simm.s32 $0x1400  }
0x3a: {  	[tilespmem:s17], [sflag:$0x1] =	stream.strided.gather [hbm4b:s0+s1], $0x280, s23, s1, $0x38;
	[tilespmem:$0xF000] =	vst v63  }
0x3b: {  	s0 =	sld [smem:$0x7FA];
	_ =	sdelay $0x1  }
0x3c: {  	s17 =	simm.s32 $0x1800  }
0x3d: {  	[tilespmem:s17], [sflag:$0x1] =	stream.strided.gather [hbm4b:s0+s1], $0x280, s23, s1, $0x38;
	[tilespmem:$0xF000] =	vst v63  }
0x3e: {  	s0 =	sld [smem:$0x7FB];
	_ =	sdelay $0x1  }
0x3f: {  	s17 =	simm.s32 $0x1C00  }
0x40: {  	[tilespmem:s17], [sflag:$0x1] =	stream.strided.gather [hbm4b:s0+s1], $0x280, s23, s1, $0x38;
	[tilespmem:$0xF000] =	vst v63  }
0x41: {  	s17 =	simm.s32 $0x1  }
0x42: {  	_ =	swait.ge [sflag:s17], $0x1A00  }
0x43: {  	[sflag:s17] =	ssyncset.done $0x0  }
0x44: {  	[sflag:s17] =	ssyncadd.s32 $0xFFFFE600  }
0x45: {  	v3 =	vld [tilespmem:$0x0];
	_ =	sdelay $0x4  }
0x46: {  	v4 =	vperm.xlane v3, v0;
	_ =	sdelay $0x1  }
0x47: {  	v3 =	vperm.xlane v3, v2;
	v4 =	vadd.s32 v1, v4;
	_ =	sdelay $0x1  }
0x48: {  	v3 =	vadd.s32 v1, v3;
	_ =	sdelay $0x2  }
0x49: {  	[tilespmem:s25], [sflag:$0x2] =	stream.indirect_vreg.gather [hbm4b:s3+s2], $0x80, v4, vm0, $0xb8;
	[tilespmem:$0xF000] =	vst v63  }
0x4a: {  	_ = 	snop  }
0x4b: {  	[tilespmem:s19], [sflag:$0x2] =	stream.indirect_vreg.gather [hbm4b:s3+s2], $0x80, v3, vm0, $0xb8;
	[tilespmem:$0xF000] =	vst v63  }
0x4c: {  	v3 =	vld [tilespmem:$0x80];
	_ =	sdelay $0x4  }
0x4d: {  	v52 =	vperm.xlane v3, v0;
	_ =	sdelay $0x1  }
0x4e: {  	v3 =	vperm.xlane v3, v2;
	v4 =	vadd.s32 v1, v52;
	_ =	sdelay $0x1  }
0x4f: {  	v3 =	vadd.s32 v1, v3;
	_ =	sdelay $0x2  }
0x50: {  	[tilespmem:s18], [sflag:$0x2] =	stream.indirect_vreg.gather [hbm4b:s3+s2], $0x80, v4, vm0, $0xb8;
	[tilespmem:$0xF000] =	vst v63  }
0x51: {  	_ = 	snop  }
0x52: {  	[tilespmem:s20], [sflag:$0x2] =	stream.indirect_vreg.gather [hbm4b:s3+s2], $0x80, v3, vm0, $0xb8;
	[tilespmem:$0xF000] =	vst v63  }
0x53: {  	v3 =	vld [tilespmem:$0x100];
	_ =	sdelay $0x4  }
0x54: {  	v53 =	vperm.xlane v3, v0;
	_ =	sdelay $0x1  }
0x55: {  	v3 =	vperm.xlane v3, v2;
	v4 =	vadd.s32 v1, v53;
	_ =	sdelay $0x1  }
0x56: {  	v3 =	vadd.s32 v1, v3;
	_ =	sdelay $0x2  }
0x57: {  	[tilespmem:s21], [sflag:$0x2] =	stream.indirect_vreg.gather [hbm4b:s3+s2], $0x80, v4, vm0, $0xb8;
	[tilespmem:$0xF000] =	vst v63  }
0x58: {  	_ = 	snop  }
0x59: {  	[tilespmem:s22], [sflag:$0x2] =	stream.indirect_vreg.gather [hbm4b:s3+s2], $0x80, v3, vm0, $0xb8;
	[tilespmem:$0xF000] =	vst v63  }
0x5a: {  	v3 =	vld [tilespmem:$0x180];
	_ =	sdelay $0x4  }
0x5b: {  	v54 =	vperm.xlane v3, v0;
	_ =	sdelay $0x1  }
0x5c: {  	v3 =	vperm.xlane v3, v2;
	v4 =	vadd.s32 v1, v54;
	_ =	sdelay $0x1  }
0x5d: {  	v3 =	vadd.s32 v1, v3;
	_ =	sdelay $0x2  }
0x5e: {  	[tilespmem:s4], [sflag:$0x2] =	stream.indirect_vreg.gather [hbm4b:s3+s2], $0x80, v4, vm0, $0xb8;
	[tilespmem:$0xF000] =	vst v63  }
0x5f: {  	_ = 	snop  }
0x60: {  	[tilespmem:s5], [sflag:$0x2] =	stream.indirect_vreg.gather [hbm4b:s3+s2], $0x80, v3, vm0, $0xb8;
	[tilespmem:$0xF000] =	vst v63  }
0x61: {  	v3 =	vld [tilespmem:$0x200];
	_ =	sdelay $0x4  }
0x62: {  	v55 =	vperm.xlane v3, v0;
	_ =	sdelay $0x1  }
0x63: {  	v3 =	vperm.xlane v3, v2;
	v4 =	vadd.s32 v1, v55;
	_ =	sdelay $0x1  }
0x64: {  	v3 =	vadd.s32 v1, v3;
	_ =	sdelay $0x2  }
0x65: {  	[tilespmem:s6], [sflag:$0x2] =	stream.indirect_vreg.gather [hbm4b:s3+s2], $0x80, v4, vm0, $0xb8;
	[tilespmem:$0xF000] =	vst v63  }
0x66: {  	_ = 	snop  }
0x67: {  	[tilespmem:s7], [sflag:$0x2] =	stream.indirect_vreg.gather [hbm4b:s3+s2], $0x80, v3, vm0, $0xb8;
	[tilespmem:$0xF000] =	vst v63  }
0x68: {  	v3 =	vld [tilespmem:$0x280];
	_ =	sdelay $0x4  }
0x69: {  	v56 =	vperm.xlane v3, v0;
	_ =	sdelay $0x1  }
0x6a: {  	v3 =	vperm.xlane v3, v2;
	v4 =	vadd.s32 v1, v56;
	_ =	sdelay $0x1  }
0x6b: {  	v3 =	vadd.s32 v1, v3;
	_ =	sdelay $0x2  }
0x6c: {  	[tilespmem:s8], [sflag:$0x2] =	stream.indirect_vreg.gather [hbm4b:s3+s2], $0x80, v4, vm0, $0xb8;
	[tilespmem:$0xF000] =	vst v63  }
0x6d: {  	_ = 	snop  }
0x6e: {  	[tilespmem:s9], [sflag:$0x2] =	stream.indirect_vreg.gather [hbm4b:s3+s2], $0x80, v3, vm0, $0xb8;
	[tilespmem:$0xF000] =	vst v63  }
0x6f: {  	v3 =	vld [tilespmem:$0x300];
	_ =	sdelay $0x4  }
0x70: {  	v57 =	vperm.xlane v3, v0;
	_ =	sdelay $0x1  }
0x71: {  	v3 =	vperm.xlane v3, v2;
	v4 =	vadd.s32 v1, v57;
	_ =	sdelay $0x1  }
0x72: {  	v3 =	vadd.s32 v1, v3;
	_ =	sdelay $0x2  }
0x73: {  	[tilespmem:s10], [sflag:$0x2] =	stream.indirect_vreg.gather [hbm4b:s3+s2], $0x80, v4, vm0, $0xb8;
	[tilespmem:$0xF000] =	vst v63  }
0x74: {  	_ = 	snop  }
0x75: {  	[tilespmem:s11], [sflag:$0x2] =	stream.indirect_vreg.gather [hbm4b:s3+s2], $0x80, v3, vm0, $0xb8;
	[tilespmem:$0xF000] =	vst v63  }
0x76: {  	v3 =	vld [tilespmem:$0x380];
	_ =	sdelay $0x4  }
0x77: {  	v58 =	vperm.xlane v3, v0;
	_ =	sdelay $0x1  }
0x78: {  	v3 =	vperm.xlane v3, v2;
	v4 =	vadd.s32 v1, v58;
	_ =	sdelay $0x1  }
0x79: {  	v3 =	vadd.s32 v1, v3;
	_ =	sdelay $0x2  }
0x7a: {  	[tilespmem:s12], [sflag:$0x2] =	stream.indirect_vreg.gather [hbm4b:s3+s2], $0x80, v4, vm0, $0xb8;
	[tilespmem:$0xF000] =	vst v63  }
0x7b: {  	_ = 	snop  }
0x7c: {  	[tilespmem:s13], [sflag:$0x2] =	stream.indirect_vreg.gather [hbm4b:s3+s2], $0x80, v3, vm0, $0xb8;
	[tilespmem:$0xF000] =	vst v63  }
0x7d: {  	v3 =	vld [tilespmem:$0x1000];
	_ =	sdelay $0x4  }
0x7e: {  	v59 =	vperm.xlane v3, v0;
	_ =	sdelay $0x1  }
0x7f: {  	v3 =	vperm.xlane v3, v2;
	v4 =	vadd.s32 v1, v59;
	_ =	sdelay $0x1  }
0x80: {  	v3 =	vadd.s32 v1, v3;
	_ =	sdelay $0x2  }
0x81: {  	[tilespmem:s23], [sflag:$0x2] =	stream.indirect_vreg.gather [hbm4b:s3+s2], $0x80, v4, vm0, $0xb8;
	[tilespmem:$0xF000] =	vst v63  }
0x82: {  	_ = 	snop  }
0x83: {  	[tilespmem:s16], [sflag:$0x2] =	stream.indirect_vreg.gather [hbm4b:s3+s2], $0x80, v3, vm0, $0xb8;
	[tilespmem:$0xF000] =	vst v63  }
0x84: {  	v3 =	vld [tilespmem:$0x1080];
	_ =	sdelay $0x4  }
0x85: {  	v60 =	vperm.xlane v3, v0;
	_ =	sdelay $0x1  }
0x86: {  	v3 =	vperm.xlane v3, v2;
	v4 =	vadd.s32 v1, v60;
	_ =	sdelay $0x1  }
0x87: {  	v3 =	vadd.s32 v1, v3;
	_ =	sdelay $0x2  }
0x88: {  	[tilespmem:s28], [sflag:$0x2] =	stream.indirect_vreg.gather [hbm4b:s3+s2], $0x80, v4, vm0, $0xb8;
	[tilespmem:$0xF000] =	vst v63  }
0x89: {  	_ = 	snop  }
0x8a: {  	[tilespmem:s29], [sflag:$0x2] =	stream.indirect_vreg.gather [hbm4b:s3+s2], $0x80, v3, vm0, $0xb8;
	[tilespmem:$0xF000] =	vst v63  }
0x8b: {  	v3 =	vld [tilespmem:$0x1100];
	_ =	sdelay $0x4  }
0x8c: {  	v61 =	vperm.xlane v3, v0;
	_ =	sdelay $0x1  }
0x8d: {  	v3 =	vperm.xlane v3, v2;
	v4 =	vadd.s32 v1, v61;
	_ =	sdelay $0x1  }
0x8e: {  	v3 =	vadd.s32 v1, v3;
	_ =	sdelay $0x2  }
0x8f: {  	[tilespmem:s30], [sflag:$0x2] =	stream.indirect_vreg.gather [hbm4b:s3+s2], $0x80, v4, vm0, $0xb8;
	[tilespmem:$0xF000] =	vst v63  }
0x90: {  	_ = 	snop  }
0x91: {  	[tilespmem:s31], [sflag:$0x2] =	stream.indirect_vreg.gather [hbm4b:s3+s2], $0x80, v3, vm0, $0xb8;
	[tilespmem:$0xF000] =	vst v63  }
0x92: {  	v3 =	vld [tilespmem:$0x1180];
	_ =	sdelay $0x4  }
0x93: {  	v62 =	vperm.xlane v3, v0;
	_ =	sdelay $0x1  }
0x94: {  	v3 =	vperm.xlane v3, v2;
	v4 =	vadd.s32 v1, v62;
	_ =	sdelay $0x1  }
0x95: {  	v3 =	vadd.s32 v1, v3;
	_ =	sdelay $0x1  }
0x96: {  	s22 =	simm.s32 $0x4C00  }
0x97: {  	[tilespmem:s22], [sflag:$0x2] =	stream.indirect_vreg.gather [hbm4b:s3+s2], $0x80, v4, vm0, $0xb8;
	[tilespmem:$0xF000] =	vst v63  }
0x98: {  	s23 =	simm.s32 $0x8000  }
0x99: {  	[tilespmem:s23], [sflag:$0x2] =	stream.indirect_vreg.gather [hbm4b:s3+s2], $0x80, v3, vm0, $0xb8;
	[tilespmem:$0xF000] =	vst v63  }
0x9a: {  	v3 =	vld [tilespmem:$0x1200];
	_ =	sdelay $0x4  }
0x9b: {  	v63 =	vperm.xlane v3, v0  }
0x9c: {  	s1 =	simm.s32 $0x0;
	s0 =	simm.s32 $0x0  }
0x9d: {  	s21 =	simm.s32 $0x4000;
	s4 =	simm.s32 $0x8400;
	s5 =	simm.s32 $0x6000;
	v3 =	vperm.xlane v3, v2;
	v4 =	vadd.s32 v1, v63  }
0x9e: {  	s6 =	simm.s32 $0x3000;
	s7 =	simm.s32 $0x6400;
	s8 =	simm.s32 $0x3400  }
0x9f: {  	s9 =	simm.s32 $0x6800;
	s10 =	simm.s32 $0x3800;
	s11 =	simm.s32 $0x6C00;
	v3 =	vadd.s32 v1, v3  }
0xa0: {  	s12 =	simm.s32 $0x3C00;
	s13 =	simm.s32 $0x7000;
	s16 =	simm.s32 $0x7400  }
0xa1: {  	s28 =	simm.s32 $0x10;
	s30 =	sld [smem:$0x7FD];
	s23 =	simm.s32 $0x5000  }
0xa2: {  	[tilespmem:s23], [sflag:$0x2] =	stream.indirect_vreg.gather [hbm4b:s3+s2], $0x80, v4, vm0, $0xb8;
	[tilespmem:$0xF000] =	vst v63  }
0xa3: {  	s29 =	simm.s32 $0x0;
	s31 =	sld [smem:$0x7FC];
	s22 =	simm.s32 $0x2800  }
0xa4: {  	[tilespmem:s4], [sflag:$0x2] =	stream.indirect_vreg.gather [hbm4b:s3+s2], $0x80, v3, vm0, $0xb8;
	[tilespmem:$0xF000] =	vst v63  }
.LBB2_2:
0xa5: {  	s17 =	sand.u32 $0x70, s28;
	s18 =	sand.u32 $0xC00, s0  }
0xa6: {  	s17 =	sor.u32 s17, s18  }
0xa7: {  	v3 =	vld [tilespmem:s17+$0x0];
	_ =	sdelay $0x4  }
0xa8: {  	v4 =	vperm.xlane v3, v0;
	_ =	sdelay $0x1  }
0xa9: {  	v3 =	vperm.xlane v3, v2;
	v4 =	vadd.s32 v1, v4;
	_ =	sdelay $0x1  }
0xaa: {  	v3 =	vadd.s32 v1, v3;
	_ =	sdelay $0x2  }
0xab: {  	[tilespmem:s14], [sflag:$0x3] =	stream.indirect_vreg.gather [hbm4b:s3+s2], $0x80, v4, vm0, $0xb8;
	[tilespmem:$0xF000] =	vst v63  }
0xac: {  	s19 =	rddreg [dreg:$0x3]  }
0xad: {  	[tilespmem:s19], [sflag:$0x3] =	stream.indirect_vreg.gather [hbm4b:s3+s2], $0x80, v3, vm0, $0xb8;
	[tilespmem:$0xF000] =	vst v63  }
0xae: {  	v3 =	vld [tilespmem:s17+$0x80];
	_ =	sdelay $0x4  }
0xaf: {  	v39 =	vperm.xlane v3, v0;
	_ =	sdelay $0x1  }
0xb0: {  	v3 =	vperm.xlane v3, v2;
	v4 =	vadd.s32 v1, v39;
	_ =	sdelay $0x1  }
0xb1: {  	v3 =	vadd.s32 v1, v3;
	_ =	sdelay $0x1  }
0xb2: {  	s20 =	rddreg [dreg:$0x4]  }
0xb3: {  	[tilespmem:s20], [sflag:$0x3] =	stream.indirect_vreg.gather [hbm4b:s3+s2], $0x80, v4, vm0, $0xb8;
	[tilespmem:$0xF000] =	vst v63  }
0xb4: {  	s19 =	rddreg [dreg:$0x5]  }
0xb5: {  	[tilespmem:s19], [sflag:$0x3] =	stream.indirect_vreg.gather [hbm4b:s3+s2], $0x80, v3, vm0, $0xb8;
	[tilespmem:$0xF000] =	vst v63  }
0xb6: {  	v3 =	vld [tilespmem:s17+$0x100];
	_ =	sdelay $0x4  }
0xb7: {  	v40 =	vperm.xlane v3, v0;
	_ =	sdelay $0x1  }
0xb8: {  	v3 =	vperm.xlane v3, v2;
	v4 =	vadd.s32 v1, v40;
	_ =	sdelay $0x1  }
0xb9: {  	v3 =	vadd.s32 v1, v3;
	_ =	sdelay $0x1  }
0xba: {  	s19 =	rddreg [dreg:$0x6]  }
0xbb: {  	[tilespmem:s19], [sflag:$0x3] =	stream.indirect_vreg.gather [hbm4b:s3+s2], $0x80, v4, vm0, $0xb8;
	[tilespmem:$0xF000] =	vst v63  }
0xbc: {  	s20 =	rddreg [dreg:$0x7]  }
0xbd: {  	[tilespmem:s20], [sflag:$0x3] =	stream.indirect_vreg.gather [hbm4b:s3+s2], $0x80, v3, vm0, $0xb8;
	[tilespmem:$0xF000] =	vst v63  }
0xbe: {  	v3 =	vld [tilespmem:s17+$0x180];
	_ =	sdelay $0x4  }
0xbf: {  	v41 =	vperm.xlane v3, v0;
	_ =	sdelay $0x1  }
0xc0: {  	v3 =	vperm.xlane v3, v2;
	v4 =	vadd.s32 v1, v41;
	_ =	sdelay $0x1  }
0xc1: {  	v3 =	vadd.s32 v1, v3;
	_ =	sdelay $0x1  }
0xc2: {  	s19 =	rddreg [dreg:$0x8]  }
0xc3: {  	[tilespmem:s19], [sflag:$0x3] =	stream.indirect_vreg.gather [hbm4b:s3+s2], $0x80, v4, vm0, $0xb8;
	[tilespmem:$0xF000] =	vst v63  }
0xc4: {  	s20 =	rddreg [dreg:$0x9]  }
0xc5: {  	[tilespmem:s20], [sflag:$0x3] =	stream.indirect_vreg.gather [hbm4b:s3+s2], $0x80, v3, vm0, $0xb8;
	[tilespmem:$0xF000] =	vst v63  }
0xc6: {  	v3 =	vld [tilespmem:s17+$0x200];
	_ =	sdelay $0x4  }
0xc7: {  	v42 =	vperm.xlane v3, v0;
	_ =	sdelay $0x1  }
0xc8: {  	v3 =	vperm.xlane v3, v2;
	v4 =	vadd.s32 v1, v42;
	_ =	sdelay $0x1  }
0xc9: {  	v3 =	vadd.s32 v1, v3;
	_ =	sdelay $0x1  }
0xca: {  	s19 =	rddreg [dreg:$0xa]  }
0xcb: {  	[tilespmem:s19], [sflag:$0x3] =	stream.indirect_vreg.gather [hbm4b:s3+s2], $0x80, v4, vm0, $0xb8;
	[tilespmem:$0xF000] =	vst v63  }
0xcc: {  	s20 =	rddreg [dreg:$0xb]  }
0xcd: {  	[tilespmem:s20], [sflag:$0x3] =	stream.indirect_vreg.gather [hbm4b:s3+s2], $0x80, v3, vm0, $0xb8;
	[tilespmem:$0xF000] =	vst v63  }
0xce: {  	v3 =	vld [tilespmem:s17+$0x280];
	_ =	sdelay $0x4  }
0xcf: {  	v43 =	vperm.xlane v3, v0;
	_ =	sdelay $0x1  }
0xd0: {  	v3 =	vperm.xlane v3, v2;
	v4 =	vadd.s32 v1, v43  }
0xd1: {  	s19 =	sand.u32 $0x7, s1  }
0xd2: {  	s18 =	sshll.u32 s19, $0x4;
	v3 =	vadd.s32 v1, v3  }
0xd3: {  	s18 =	sadd.s32 s0, s18  }
0xd4: {  	s20 =	rddreg [dreg:$0xc];
	s18 =	sadd.s32 $0x10, s18  }
0xd5: {  	[tilespmem:s20], [sflag:$0x3] =	stream.indirect_vreg.gather [hbm4b:s3+s2], $0x80, v4, vm0, $0xb8;
	[tilespmem:$0xF000] =	vst v63  }
0xd6: {  	s18 =	sor.u32 $0x300, s18;
	s20 =	rddreg [dreg:$0xd]  }
0xd7: {  	[tilespmem:s20], [sflag:$0x3] =	stream.indirect_vreg.gather [hbm4b:s3+s2], $0x80, v3, vm0, $0xb8;
	[tilespmem:$0xF000] =	vst v63  }
0xd8: {  	v3 =	vld [tilespmem:s18+$0x0];
	_ =	sdelay $0x4  }
0xd9: {  	v44 =	vperm.xlane v3, v0;
	_ =	sdelay $0x1  }
0xda: {  	v3 =	vperm.xlane v3, v2;
	v4 =	vadd.s32 v1, v44;
	_ =	sdelay $0x1  }
0xdb: {  	v3 =	vadd.s32 v1, v3;
	_ =	sdelay $0x1  }
0xdc: {  	s19 =	rddreg [dreg:$0xe]  }
0xdd: {  	[tilespmem:s19], [sflag:$0x3] =	stream.indirect_vreg.gather [hbm4b:s3+s2], $0x80, v4, vm0, $0xb8;
	[tilespmem:$0xF000] =	vst v63  }
0xde: {  	s20 =	rddreg [dreg:$0xf]  }
0xdf: {  	[tilespmem:s20], [sflag:$0x3] =	stream.indirect_vreg.gather [hbm4b:s3+s2], $0x80, v3, vm0, $0xb8;
	[tilespmem:$0xF000] =	vst v63  }
0xe0: {  	s20 =	sor.u32 s28, s0  }
0xe1: {  	s18 =	sor.u32 $0x380, s20  }
0xe2: {  	v3 =	vld [tilespmem:s18+$0x0];
	_ =	sdelay $0x4  }
0xe3: {  	v45 =	vperm.xlane v3, v0;
	_ =	sdelay $0x1  }
0xe4: {  	v3 =	vperm.xlane v3, v2;
	v4 =	vadd.s32 v1, v45;
	_ =	sdelay $0x1  }
0xe5: {  	v3 =	vadd.s32 v1, v3;
	_ =	sdelay $0x1  }
0xe6: {  	s19 =	rddreg [dreg:$0x10]  }
0xe7: {  	[tilespmem:s19], [sflag:$0x3] =	stream.indirect_vreg.gather [hbm4b:s3+s2], $0x80, v4, vm0, $0xb8;
	[tilespmem:$0xF000] =	vst v63  }
0xe8: {  	s20 =	rddreg [dreg:$0x11]  }
0xe9: {  	[tilespmem:s20], [sflag:$0x3] =	stream.indirect_vreg.gather [hbm4b:s3+s2], $0x80, v3, vm0, $0xb8;
	[tilespmem:$0xF000] =	vst v63  }
0xea: {  	v3 =	vld [tilespmem:s17+$0x1000];
	_ =	sdelay $0x4  }
0xeb: {  	v46 =	vperm.xlane v3, v0;
	_ =	sdelay $0x1  }
0xec: {  	v3 =	vperm.xlane v3, v2;
	v4 =	vadd.s32 v1, v46;
	_ =	sdelay $0x1  }
0xed: {  	v3 =	vadd.s32 v1, v3;
	_ =	sdelay $0x1  }
0xee: {  	s19 =	rddreg [dreg:$0x12]  }
0xef: {  	[tilespmem:s19], [sflag:$0x3] =	stream.indirect_vreg.gather [hbm4b:s3+s2], $0x80, v4, vm0, $0xb8;
	[tilespmem:$0xF000] =	vst v63  }
0xf0: {  	s20 =	rddreg [dreg:$0x13]  }
0xf1: {  	[tilespmem:s20], [sflag:$0x3] =	stream.indirect_vreg.gather [hbm4b:s3+s2], $0x80, v3, vm0, $0xb8;
	[tilespmem:$0xF000] =	vst v63  }
0xf2: {  	v3 =	vld [tilespmem:s17+$0x1080];
	_ =	sdelay $0x4  }
0xf3: {  	v47 =	vperm.xlane v3, v0;
	_ =	sdelay $0x1  }
0xf4: {  	v3 =	vperm.xlane v3, v2;
	v4 =	vadd.s32 v1, v47;
	_ =	sdelay $0x1  }
0xf5: {  	v3 =	vadd.s32 v1, v3;
	_ =	sdelay $0x1  }
0xf6: {  	s19 =	rddreg [dreg:$0x14]  }
0xf7: {  	[tilespmem:s19], [sflag:$0x3] =	stream.indirect_vreg.gather [hbm4b:s3+s2], $0x80, v4, vm0, $0xb8;
	[tilespmem:$0xF000] =	vst v63  }
0xf8: {  	s20 =	rddreg [dreg:$0x15]  }
0xf9: {  	[tilespmem:s20], [sflag:$0x3] =	stream.indirect_vreg.gather [hbm4b:s3+s2], $0x80, v3, vm0, $0xb8;
	[tilespmem:$0xF000] =	vst v63  }
0xfa: {  	v3 =	vld [tilespmem:s17+$0x1100];
	_ =	sdelay $0x4  }
0xfb: {  	v48 =	vperm.xlane v3, v0;
	_ =	sdelay $0x1  }
0xfc: {  	v3 =	vperm.xlane v3, v2;
	v4 =	vadd.s32 v1, v48;
	_ =	sdelay $0x1  }
0xfd: {  	v3 =	vadd.s32 v1, v3;
	_ =	sdelay $0x1  }
0xfe: {  	s19 =	rddreg [dreg:$0x16]  }
0xff: {  	[tilespmem:s19], [sflag:$0x3] =	stream.indirect_vreg.gather [hbm4b:s3+s2], $0x80, v4, vm0, $0xb8;
	[tilespmem:$0xF000] =	vst v63  }
0x100: {  	s20 =	rddreg [dreg:$0x17]  }
0x101: {  	[tilespmem:s20], [sflag:$0x3] =	stream.indirect_vreg.gather [hbm4b:s3+s2], $0x80, v3, vm0, $0xb8;
	[tilespmem:$0xF000] =	vst v63  }
0x102: {  	v3 =	vld [tilespmem:s17+$0x1180];
	_ =	sdelay $0x4  }
0x103: {  	v49 =	vperm.xlane v3, v0;
	_ =	sdelay $0x1  }
0x104: {  	v3 =	vperm.xlane v3, v2;
	v4 =	vadd.s32 v1, v49;
	_ =	sdelay $0x1  }
0x105: {  	v3 =	vadd.s32 v1, v3;
	_ =	sdelay $0x1  }
0x106: {  	s19 =	rddreg [dreg:$0x18]  }
0x107: {  	[tilespmem:s19], [sflag:$0x3] =	stream.indirect_vreg.gather [hbm4b:s3+s2], $0x80, v4, vm0, $0xb8;
	[tilespmem:$0xF000] =	vst v63  }
0x108: {  	s20 =	rddreg [dreg:$0x19]  }
0x109: {  	[tilespmem:s20], [sflag:$0x3] =	stream.indirect_vreg.gather [hbm4b:s3+s2], $0x80, v3, vm0, $0xb8;
	[tilespmem:$0xF000] =	vst v63  }
0x10a: {  	v3 =	vld [tilespmem:s17+$0x1200];
	_ =	sdelay $0x4  }
0x10b: {  	v50 =	vperm.xlane v3, v0;
	_ =	sdelay $0x1  }
0x10c: {  	v3 =	vperm.xlane v3, v2;
	v4 =	vadd.s32 v1, v50;
	_ =	sdelay $0x1  }
0x10d: {  	v3 =	vadd.s32 v1, v3;
	_ =	sdelay $0x1  }
0x10e: {  	s18 =	rddreg [dreg:$0x1a]  }
0x10f: {  	[tilespmem:s18], [sflag:$0x3] =	stream.indirect_vreg.gather [hbm4b:s3+s2], $0x80, v4, vm0, $0xb8;
	[tilespmem:$0xF000] =	vst v63  }
0x110: {  	s20 =	rddreg [dreg:$0x1b]  }
0x111: {  	[tilespmem:s20], [sflag:$0x3] =	stream.indirect_vreg.gather [hbm4b:s3+s2], $0x80, v3, vm0, $0xb8;
	[tilespmem:$0xF000] =	vst v63  }
0x112: {  	_ =	swait.ge [sflag:s24], $0x6800  }
0x113: {  	s18 =	smin.u32 s29, $0x1D;
	[sflag:s24] =	ssyncset.done $0x0  }
0x114: {  	s17 =	sadd.s32 $0x2, s18;
	[sflag:s24] =	ssyncadd.s32 $0xFFFF9800  }
0x115: {  	[hbm4b:s31+s2] =	stream.linear.scatter [tilespmem:s25], [sflag:$0x4], $0x6800, $0x38;
	[tilespmem:$0xF000] =	vst v63  }
0x116: {  	s20 =	sshll.u32 s17, $0x4;
	s17 =	sshll.u32 s17, $0x7;
	_ =	swait.ge [sflag:s15], $0x6800  }
0x117: {  	s18 =	sor.u32 s17, s20;
	[sflag:s15] =	ssyncset.done $0x0  }
0x118: {  	s17 =	sand.u32 $0x1C70, s18;
	[sflag:s15] =	ssyncadd.s32 $0xFFFF9800  }
0x119: {  	v3 =	vld [tilespmem:s17+$0x0];
	_ =	sdelay $0x4  }
0x11a: {  	v51 =	vperm.xlane v3, v0;
	_ =	sdelay $0x1  }
0x11b: {  	v3 =	vperm.xlane v3, v2;
	v4 =	vadd.s32 v1, v51;
	_ =	sdelay $0x1  }
0x11c: {  	v3 =	vadd.s32 v1, v3;
	_ =	sdelay $0x2  }
0x11d: {  	[tilespmem:s25], [sflag:$0x2] =	stream.indirect_vreg.gather [hbm4b:s3+s2], $0x80, v4, vm0, $0xb8;
	[tilespmem:$0xF000] =	vst v63  }
0x11e: {  	s19 =	simm.s32 $0x5400  }
0x11f: {  	[tilespmem:s19], [sflag:$0x2] =	stream.indirect_vreg.gather [hbm4b:s3+s2], $0x80, v3, vm0, $0xb8;
	[tilespmem:$0xF000] =	vst v63  }
0x120: {  	v3 =	vld [tilespmem:s17+$0x80];
	_ =	sdelay $0x4  }
0x121: {  	v52 =	vperm.xlane v3, v0;
	_ =	sdelay $0x1  }
0x122: {  	v3 =	vperm.xlane v3, v2;
	v4 =	vadd.s32 v1, v52;
	_ =	sdelay $0x1  }
0x123: {  	v3 =	vadd.s32 v1, v3;
	_ =	sdelay $0x1  }
0x124: {  	s20 =	simm.s32 $0x2400  }
0x125: {  	[tilespmem:s20], [sflag:$0x2] =	stream.indirect_vreg.gather [hbm4b:s3+s2], $0x80, v4, vm0, $0xb8;
	[tilespmem:$0xF000] =	vst v63  }
0x126: {  	s20 =	simm.s32 $0x5800  }
0x127: {  	[tilespmem:s20], [sflag:$0x2] =	stream.indirect_vreg.gather [hbm4b:s3+s2], $0x80, v3, vm0, $0xb8;
	[tilespmem:$0xF000] =	vst v63  }
0x128: {  	v3 =	vld [tilespmem:s17+$0x100];
	_ =	sdelay $0x4  }
0x129: {  	v53 =	vperm.xlane v3, v0;
	_ =	sdelay $0x1  }
0x12a: {  	v3 =	vperm.xlane v3, v2;
	v4 =	vadd.s32 v1, v53;
	_ =	sdelay $0x1  }
0x12b: {  	v3 =	vadd.s32 v1, v3;
	_ =	sdelay $0x2  }
0x12c: {  	[tilespmem:s22], [sflag:$0x2] =	stream.indirect_vreg.gather [hbm4b:s3+s2], $0x80, v4, vm0, $0xb8;
	[tilespmem:$0xF000] =	vst v63  }
0x12d: {  	s20 =	simm.s32 $0x5C00  }
0x12e: {  	[tilespmem:s20], [sflag:$0x2] =	stream.indirect_vreg.gather [hbm4b:s3+s2], $0x80, v3, vm0, $0xb8;
	[tilespmem:$0xF000] =	vst v63  }
0x12f: {  	v3 =	vld [tilespmem:s17+$0x180];
	_ =	sdelay $0x4  }
0x130: {  	v54 =	vperm.xlane v3, v0;
	_ =	sdelay $0x1  }
0x131: {  	v3 =	vperm.xlane v3, v2;
	v4 =	vadd.s32 v1, v54;
	_ =	sdelay $0x1  }
0x132: {  	v3 =	vadd.s32 v1, v3;
	_ =	sdelay $0x1  }
0x133: {  	s20 =	simm.s32 $0x2C00  }
0x134: {  	[tilespmem:s20], [sflag:$0x2] =	stream.indirect_vreg.gather [hbm4b:s3+s2], $0x80, v4, vm0, $0xb8;
	[tilespmem:$0xF000] =	vst v63  }
0x135: {  	_ = 	snop  }
0x136: {  	[tilespmem:s5], [sflag:$0x2] =	stream.indirect_vreg.gather [hbm4b:s3+s2], $0x80, v3, vm0, $0xb8;
	[tilespmem:$0xF000] =	vst v63  }
0x137: {  	v3 =	vld [tilespmem:s17+$0x200];
	_ =	sdelay $0x4  }
0x138: {  	v55 =	vperm.xlane v3, v0;
	_ =	sdelay $0x1  }
0x139: {  	v3 =	vperm.xlane v3, v2;
	v4 =	vadd.s32 v1, v55;
	_ =	sdelay $0x1  }
0x13a: {  	v3 =	vadd.s32 v1, v3;
	_ =	sdelay $0x2  }
0x13b: {  	[tilespmem:s6], [sflag:$0x2] =	stream.indirect_vreg.gather [hbm4b:s3+s2], $0x80, v4, vm0, $0xb8;
	[tilespmem:$0xF000] =	vst v63  }
0x13c: {  	_ = 	snop  }
0x13d: {  	[tilespmem:s7], [sflag:$0x2] =	stream.indirect_vreg.gather [hbm4b:s3+s2], $0x80, v3, vm0, $0xb8;
	[tilespmem:$0xF000] =	vst v63  }
0x13e: {  	v3 =	vld [tilespmem:s17+$0x280];
	_ =	sdelay $0x4  }
0x13f: {  	v56 =	vperm.xlane v3, v0;
	_ =	sdelay $0x1  }
0x140: {  	v3 =	vperm.xlane v3, v2;
	v4 =	vadd.s32 v1, v56;
	_ =	sdelay $0x1  }
0x141: {  	v3 =	vadd.s32 v1, v3;
	_ =	sdelay $0x2  }
0x142: {  	[tilespmem:s8], [sflag:$0x2] =	stream.indirect_vreg.gather [hbm4b:s3+s2], $0x80, v4, vm0, $0xb8;
	[tilespmem:$0xF000] =	vst v63  }
0x143: {  	_ = 	snop  }
0x144: {  	[tilespmem:s9], [sflag:$0x2] =	stream.indirect_vreg.gather [hbm4b:s3+s2], $0x80, v3, vm0, $0xb8;
	[tilespmem:$0xF000] =	vst v63  }
0x145: {  	v3 =	vld [tilespmem:s17+$0x300];
	_ =	sdelay $0x4  }
0x146: {  	v57 =	vperm.xlane v3, v0;
	_ =	sdelay $0x1  }
0x147: {  	v3 =	vperm.xlane v3, v2;
	v4 =	vadd.s32 v1, v57;
	_ =	sdelay $0x1  }
0x148: {  	v3 =	vadd.s32 v1, v3;
	_ =	sdelay $0x2  }
0x149: {  	[tilespmem:s10], [sflag:$0x2] =	stream.indirect_vreg.gather [hbm4b:s3+s2], $0x80, v4, vm0, $0xb8;
	[tilespmem:$0xF000] =	vst v63  }
0x14a: {  	s18 =	sor.u32 $0x380, s18  }
0x14b: {  	[tilespmem:s11], [sflag:$0x2] =	stream.indirect_vreg.gather [hbm4b:s3+s2], $0x80, v3, vm0, $0xb8;
	[tilespmem:$0xF000] =	vst v63  }
0x14c: {  	v3 =	vld [tilespmem:s18+$0x0];
	_ =	sdelay $0x4  }
0x14d: {  	v58 =	vperm.xlane v3, v0;
	_ =	sdelay $0x1  }
0x14e: {  	v3 =	vperm.xlane v3, v2;
	v4 =	vadd.s32 v1, v58;
	_ =	sdelay $0x1  }
0x14f: {  	v3 =	vadd.s32 v1, v3;
	_ =	sdelay $0x2  }
0x150: {  	[tilespmem:s12], [sflag:$0x2] =	stream.indirect_vreg.gather [hbm4b:s3+s2], $0x80, v4, vm0, $0xb8;
	[tilespmem:$0xF000] =	vst v63  }
0x151: {  	_ = 	snop  }
0x152: {  	[tilespmem:s13], [sflag:$0x2] =	stream.indirect_vreg.gather [hbm4b:s3+s2], $0x80, v3, vm0, $0xb8;
	[tilespmem:$0xF000] =	vst v63  }
0x153: {  	v3 =	vld [tilespmem:s17+$0x1000];
	_ =	sdelay $0x4  }
0x154: {  	v59 =	vperm.xlane v3, v0;
	_ =	sdelay $0x1  }
0x155: {  	v3 =	vperm.xlane v3, v2;
	v4 =	vadd.s32 v1, v59;
	_ =	sdelay $0x1  }
0x156: {  	v3 =	vadd.s32 v1, v3;
	_ =	sdelay $0x2  }
0x157: {  	[tilespmem:s21], [sflag:$0x2] =	stream.indirect_vreg.gather [hbm4b:s3+s2], $0x80, v4, vm0, $0xb8;
	[tilespmem:$0xF000] =	vst v63  }
0x158: {  	_ = 	snop  }
0x159: {  	[tilespmem:s16], [sflag:$0x2] =	stream.indirect_vreg.gather [hbm4b:s3+s2], $0x80, v3, vm0, $0xb8;
	[tilespmem:$0xF000] =	vst v63  }
0x15a: {  	v3 =	vld [tilespmem:s17+$0x1080];
	_ =	sdelay $0x4  }
0x15b: {  	v60 =	vperm.xlane v3, v0;
	_ =	sdelay $0x1  }
0x15c: {  	v3 =	vperm.xlane v3, v2;
	v4 =	vadd.s32 v1, v60;
	_ =	sdelay $0x1  }
0x15d: {  	v3 =	vadd.s32 v1, v3;
	_ =	sdelay $0x1  }
0x15e: {  	s20 =	simm.s32 $0x4400  }
0x15f: {  	[tilespmem:s20], [sflag:$0x2] =	stream.indirect_vreg.gather [hbm4b:s3+s2], $0x80, v4, vm0, $0xb8;
	[tilespmem:$0xF000] =	vst v63  }
0x160: {  	s20 =	simm.s32 $0x7800  }
0x161: {  	[tilespmem:s20], [sflag:$0x2] =	stream.indirect_vreg.gather [hbm4b:s3+s2], $0x80, v3, vm0, $0xb8;
	[tilespmem:$0xF000] =	vst v63  }
0x162: {  	v3 =	vld [tilespmem:s17+$0x1100];
	_ =	sdelay $0x4  }
0x163: {  	v61 =	vperm.xlane v3, v0;
	_ =	sdelay $0x1  }
0x164: {  	v3 =	vperm.xlane v3, v2;
	v4 =	vadd.s32 v1, v61;
	_ =	sdelay $0x1  }
0x165: {  	v3 =	vadd.s32 v1, v3;
	_ =	sdelay $0x1  }
0x166: {  	s20 =	simm.s32 $0x4800  }
0x167: {  	[tilespmem:s20], [sflag:$0x2] =	stream.indirect_vreg.gather [hbm4b:s3+s2], $0x80, v4, vm0, $0xb8;
	[tilespmem:$0xF000] =	vst v63  }
0x168: {  	s20 =	simm.s32 $0x7C00  }
0x169: {  	[tilespmem:s20], [sflag:$0x2] =	stream.indirect_vreg.gather [hbm4b:s3+s2], $0x80, v3, vm0, $0xb8;
	[tilespmem:$0xF000] =	vst v63  }
0x16a: {  	v3 =	vld [tilespmem:s17+$0x1180];
	_ =	sdelay $0x4  }
0x16b: {  	v62 =	vperm.xlane v3, v0;
	_ =	sdelay $0x1  }
0x16c: {  	v3 =	vperm.xlane v3, v2;
	v4 =	vadd.s32 v1, v62;
	_ =	sdelay $0x1  }
0x16d: {  	v3 =	vadd.s32 v1, v3;
	_ =	sdelay $0x1  }
0x16e: {  	s20 =	simm.s32 $0x4C00  }
0x16f: {  	[tilespmem:s20], [sflag:$0x2] =	stream.indirect_vreg.gather [hbm4b:s3+s2], $0x80, v4, vm0, $0xb8;
	[tilespmem:$0xF000] =	vst v63  }
0x170: {  	s20 =	simm.s32 $0x8000  }
0x171: {  	[tilespmem:s20], [sflag:$0x2] =	stream.indirect_vreg.gather [hbm4b:s3+s2], $0x80, v3, vm0, $0xb8;
	[tilespmem:$0xF000] =	vst v63  }
0x172: {  	v3 =	vld [tilespmem:s17+$0x1200];
	_ =	sdelay $0x4  }
0x173: {  	v63 =	vperm.xlane v3, v0;
	_ =	sdelay $0x1  }
0x174: {  	v3 =	vperm.xlane v3, v2;
	v4 =	vadd.s32 v1, v63;
	_ =	sdelay $0x1  }
0x175: {  	v3 =	vadd.s32 v1, v3;
	_ =	sdelay $0x2  }
0x176: {  	[tilespmem:s23], [sflag:$0x2] =	stream.indirect_vreg.gather [hbm4b:s3+s2], $0x80, v4, vm0, $0xb8;
	[tilespmem:$0xF000] =	vst v63  }
0x177: {  	_ = 	snop  }
0x178: {  	[tilespmem:s4], [sflag:$0x2] =	stream.indirect_vreg.gather [hbm4b:s3+s2], $0x80, v3, vm0, $0xb8;
	[tilespmem:$0xF000] =	vst v63  }
0x179: {  	_ =	swait.ge [sflag:s26], $0x6800  }
0x17a: {  	p0 =	sne.s32 s28, $0x1F0;
	[sflag:s26] =	ssyncset.done $0x0  }
.Ltmp0:
0x17b: {  	[sflag:s26] =	ssyncadd.s32 $0xFFFF9800;
	(pc) =	sbr.rel @p0 .LBB2_2-.Ltmp0, $4  }
0x17c: {  	[hbm4b:s30+s2] =	stream.linear.scatter [tilespmem:s14], [sflag:$0x4], $0x6800, $0x38;
	[tilespmem:$0xF000] =	vst v63  }
0x17d: {  	s1 =	sadd.s32 $0x2, s1;
	s0 =	sadd.s32 $0x100, s0;
	_ =	swait.ge [sflag:s15], $0x6800  }
0x17e: {  	s28 =	sadd.s32 $0x20, s28;
	s29 =	sadd.s32 $0x2, s29;
	[sflag:s15] =	ssyncset.done $0x0  }
0x17f: {  	s31 =	sadd.s32 $0x1A00, s31;
	s30 =	sadd.s32 $0x1A00, s30;
	[sflag:s15] =	ssyncadd.s32 $0xFFFF9800  }
0x180: {  	_ =	swait.ge [sflag:s24], $0x6800  }
0x181: {  	s1 =	sld [smem:$0x7F6]  }
0x182: {  	s18 =	simm.s32 $0x2400;
	s20 =	simm.s32 $0x5800  }
0x183: {  	s21 =	simm.s32 $0x2800;
	s22 =	simm.s32 $0x5C00;
	s4 =	simm.s32 $0x2C00  }
0x184: {  	s5 =	simm.s32 $0x6000;
	s0 =	rddreg [dreg:$0x1d];
	s1 =	sadd.s32 $0x1, s1  }
0x185: {  	s6 =	simm.s32 $0x3000;
	s7 =	simm.s32 $0x6400;
	p0 =	sne.s32 s1, s0  }
.Ltmp1:
0x186: {  	s8 =	simm.s32 $0x3400;
	s9 =	simm.s32 $0x6800;
	(pc) =	sbr.rel @p0 .LBB2_1-.Ltmp1, $4  }
0x187: {  	s10 =	simm.s32 $0x3800;
	s11 =	simm.s32 $0x6C00;
	s12 =	simm.s32 $0x3C00  }
0x188: {  	s13 =	simm.s32 $0x7000;
	s16 =	simm.s32 $0x7400;
	s23 =	simm.s32 $0x4000  }
0x189: {  	s28 =	simm.s32 $0x4400;
	s29 =	simm.s32 $0x7800;
	[sflag:s24] =	ssyncset.done $0x0  }
0x18a: {  	s30 =	simm.s32 $0x4800;
	s31 =	simm.s32 $0x7C00;
	[sflag:s24] =	ssyncadd.s32 $0xFFFF9800  }
0x18b: {  	_ =	sfence.sel $0x180000  }
0x18c: {  	[bflag:$0x0] =	sbarrier.arrive $0xFFFF  }
0x18d: {  	_ =	strace $0x90000047  }
0x18e: {  	s0 =	stileid.u32;
	[bflag:$0x2] =	sbarrier.arrive $0xFFFF  }
0x18f: {  	p0 =	sne.s32 s0, $0x0;
	s0 =	rddreg [dreg:$0x2]  }
0x190: {  	s0 =	sadd.s32 @!p0 $0x100000, s0  }
0x191: {  	[sflag:s0] =	ssyncadd.tile.s32 @!p0 $0x1;
	_ =	shalt  }
.Lfunc_end2:
_tile_overlayer_lowered:
.L_overlay_start_2:
0x192: {  	(tag) =	ssettag $0x2  }
0x193: {  	s0 =	rddreg [dreg:$0x0];
	s2 =	stileid.u32  }
0x194: {  	s1 =	rddreg [dreg:$0x1];
	p0 =	sne.s32 s2, $0x0  }
0x195: {  	s3 =	rddreg [dreg:$0x2];
	[bflag:$0x3] =	sbarrier.arrive $0xFFFF;
	s2 =	simm.s32 @!p0 $0x1C04  }
0x196: {  	[timem:s3], [sflag:s2] =	dma.local @!p0 [hbm:s0], s1  }
0x197: {  	s0 =	simm.s32 @!p0 $0x4  }
0x198: {  	_ =	swait.ge @!p0 [sflag:s0], s1  }
0x199: {  	s1 =	ssub.s32 @!p0 $0x0, s1;
	[sflag:s0] =	ssyncset.done @!p0 $0x0  }
0x19a: {  	[sflag:s0] =	ssyncadd.s32 @!p0 s1  }
0x19b: {  	[bflag:$0x3] =	sbarrier.arrive $0xFFFF  }
0x19c: {  	_ =	shalt  }

</sc_bundles>
